<compile_context>
chip_gen: v7x
topology: tpu7x:2x2x1
jax: 0.10.2.dev20260603
libtpu: 0.0.44.dev20260713+nightly
codegen_flags: <defaults>
</compile_context>

<pallas_src>
import jax
import jax.numpy as jnp
from jax.experimental import pallas as pl
from jax.experimental.pallas import tpu as pltpu
from jax.experimental.pallas import tpu_sc as plsc

BATCH = 1024
FEAT = 128
N = 100000
K = 5
CLS = 100

BLK = 2048
NBLK = (N + BLK - 1) // BLK
NSTRIP = BLK // 128
NSEL = K + 1
IMIN = -(1 << 31)
IMAX = (1 << 31) - 1


def _topk_body(f_ref, idx_ref, fm_ref, out_ref, fn_ref, *plane_refs):
    i = pl.program_id(0)

    @pl.when(i == 0)
    def _init():
        f = f_ref[...]
        norm = jnp.sqrt(jnp.sum(f * f, axis=1, keepdims=True))
        fn_ref[...] = f / jnp.maximum(norm, 1e-12)
        for pr in plane_refs:
            pr[...] = jnp.zeros((BATCH, 128), jnp.float32)

    fn = fn_ref[...]
    fm = fm_ref[...]
    dis = jax.lax.dot_general(fn, fm, (((1,), (1,)), ((), ())),
                              preferred_element_type=jnp.float32)
    lim = jnp.where(i == NBLK - 1, N - (NBLK - 1) * BLK, BLK)
    ci = jax.lax.broadcasted_iota(jnp.int32, (BATCH, 128), 1)

    tail0 = (N % BLK) // 128 * 128
    planes = [pr[...] for pr in plane_refs]
    for s in range(NSTRIP):
        key = dis[:, s * 128:(s + 1) * 128] + 4.0
        bi = jax.lax.bitcast_convert_type(key, jnp.int32)
        pi = (bi & ~0x3FF) | (0x3FF - (i * NSTRIP + s))
        x = jax.lax.bitcast_convert_type(pi, jnp.float32)
        if s * 128 >= tail0:
            x = jnp.where(ci < lim - s * 128, x, 0.0)
        for k in range(NSEL):
            t = jnp.maximum(planes[k], x)
            if k + 1 < NSEL:
                x = jnp.minimum(planes[k], x)
            planes[k] = t
    for pr, p in zip(plane_refs, planes):
        pr[...] = p

    @pl.when(i == NBLK - 1)
    def _emit():
        planes = [pr[...] for pr in plane_refs]
        cols = []
        for _ in range(NSEL):
            mm = planes[0]
            for p in planes[1:]:
                mm = jnp.maximum(mm, p)
            m = jnp.max(mm, axis=1, keepdims=True)
            lane = jnp.min(jnp.where(mm == m, ci, IMAX), axis=1,
                           keepdims=True)
            mi = jax.lax.bitcast_convert_type(m, jnp.int32)
            chunk = 0x3FF - (mi & 0x3FF)
            cols.append(chunk * 128 + lane)
            planes = [jnp.where(p == m, 0.0, p) for p in planes]
        run_c = jnp.concatenate(
            cols + [jnp.zeros((BATCH, 8 - NSEL), jnp.int32)], axis=1)
        s = (run_c == idx_ref[...]).astype(jnp.int32)
        for sh in (1, 2, 4):
            s = s | jnp.concatenate(
                [jnp.zeros((BATCH, sh), jnp.int32), s[:, :8 - sh]], axis=1)
        nxt_c = jnp.concatenate(
            [run_c[:, 1:], jnp.zeros((BATCH, 1), jnp.int32)], axis=1)
        out_ref[...] = jnp.where(s == 1, nxt_c, run_c)


def _topk_indices(features, idx2d, feat_memory):
    return pl.pallas_call(
        _topk_body,
        grid=(NBLK,),
        in_specs=[
            pl.BlockSpec((BATCH, FEAT), lambda i: (0, 0)),
            pl.BlockSpec((BATCH, 1), lambda i: (0, 0)),
            pl.BlockSpec((BLK, FEAT), lambda i: (i, 0)),
        ],
        out_specs=pl.BlockSpec((BATCH, 8), lambda i: (0, 0)),
        out_shape=jax.ShapeDtypeStruct((BATCH, 8), jnp.int32),
        scratch_shapes=[pltpu.VMEM((BATCH, FEAT), jnp.float32)] +
                       [pltpu.VMEM((BATCH, 128), jnp.float32)
                        for _ in range(NSEL)],
        compiler_params=pltpu.CompilerParams(
            dimension_semantics=("arbitrary",)),
    )(features, idx2d, feat_memory)


CPAD = 128
PADBLK = 4000


def _pad_body(p_ref, o_ref):
    o_ref[:, :CLS] = p_ref[...]
    o_ref[:, CLS:] = jnp.zeros((PADBLK, CPAD - CLS), jnp.float32)


def _pad_pred(pred_memory):
    return pl.pallas_call(
        _pad_body,
        grid=(N // PADBLK,),
        in_specs=[pl.BlockSpec((PADBLK, CLS), lambda i: (i, 0))],
        out_specs=pl.BlockSpec((PADBLK, CPAD), lambda i: (i, 0)),
        out_shape=jax.ShapeDtypeStruct((N, CPAD), jnp.float32),
    )(pred_memory)


GW = 128


def _sc_gather(pred_padded, flat_idx):
    mesh = plsc.VectorSubcoreMesh(core_axis_name="c", subcore_axis_name="s")

    @pl.kernel(out_type=jax.ShapeDtypeStruct((BATCH * K, CPAD), jnp.float32),
               mesh=mesh)
    def k(pred_hbm, i_hbm, o_hbm):
        def body(i_vmem, o_vmem):
            pltpu.sync_copy(pred_hbm.at[i_vmem.at[0]], o_vmem)

        pltpu.emit_pipeline(
            body,
            grid=(BATCH * K // GW,),
            in_specs=[pl.BlockSpec((1, GW), lambda i: (0, i))],
            out_specs=[pl.BlockSpec((GW, CPAD), lambda i: (i, 0))],
            core_axis_name=("c", "s"),
            dimension_semantics=(pltpu.PARALLEL,),
        )(i_hbm, o_hbm)

    return k(pred_padded, flat_idx)


def _mean_argmax_body(g_ref, mean_ref, lab_ref):
    acc = g_ref[0:BATCH, :CLS]
    for k in range(1, K):
        acc = acc + g_ref[k * BATCH:(k + 1) * BATCH, :CLS]
    mean = acc * (1.0 / K)
    mean_ref[...] = mean
    m = jnp.max(mean, axis=1, keepdims=True)
    ci = jax.lax.broadcasted_iota(jnp.int32, (BATCH, CLS), 1)
    lab_ref[...] = jnp.min(jnp.where(mean == m, ci, IMAX), axis=1,
                           keepdims=True)


def _mean_argmax(gathered):
    return pl.pallas_call(
        _mean_argmax_body,
        out_shape=[jax.ShapeDtypeStruct((BATCH, CLS), jnp.float32),
                   jax.ShapeDtypeStruct((BATCH, 1), jnp.int32)],
    )(gathered)


def kernel(features, idx, feat_memory, pred_memory):
    idx2d = idx.astype(jnp.int32).reshape(BATCH, 1)
    top = _topk_indices(features, idx2d, feat_memory)
    flat_idx = top[:, :K].T.reshape(1, BATCH * K)
    pred_padded = _pad_pred(pred_memory)
    gathered = _sc_gather(pred_padded, flat_idx)
    mean_logits, lab = _mean_argmax(gathered)
    return lab.reshape(BATCH), mean_logits

# --- scband reference (transcript-rebuilt; emitter-appended) ---
"""Pipeline reference for scband-neighborhood-aggregation-47991964565560 (READ-ONLY COPY).

The authoritative reference and input builder live on the scoring server;
editing this copy changes nothing except your own understanding.
"""

import jax, jax.numpy as jnp
import numpy as np

DATASET_SIZE = 100000
FEAT_DIM = 128
NUM_CLASSES = 100
BATCH = 1024
K = 5


def _normalize(x, eps=1e-12):
    n = jnp.linalg.norm(x, axis=1, keepdims=True)
    return x / jnp.maximum(n, eps)


def setup_inputs(seed: int = 0) -> dict:
    key = jax.random.key(seed)
    k1, k2, k3 = jax.random.split(key, 3)
    features = jax.random.normal(k1, (BATCH, FEAT_DIM), dtype=jnp.float32)
    idx = jax.random.randint(k2, (BATCH,), 0, DATASET_SIZE)
    feat_memory = jax.random.uniform(k3, (DATASET_SIZE, FEAT_DIM), dtype=jnp.float32)
    feat_memory = _normalize(feat_memory)
    pred_memory = jnp.ones((DATASET_SIZE, NUM_CLASSES), dtype=jnp.float32) / NUM_CLASSES
    return {"features": features, "idx": idx, "feat_memory": feat_memory, "pred_memory": pred_memory}


def reference(features, idx, feat_memory, pred_memory):
    # forward with update=False (no memory write)
    f = _normalize(features)
    # dis = f @ feat_memory.T  -> [B, dataset_size]
    dis = jnp.matmul(f, feat_memory.T)
    # exclude self: dis[i, idx[i]] = min(dis)
    dmin = jnp.min(dis)
    dis = dis.at[jnp.arange(dis.shape[0]), idx].set(dmin)
    # top-k neighbors
    _, indices = jax.lax.top_k(dis, K)  # [B, K]
    # mean of neighbor predictions
    mean_logits = jnp.mean(jnp.take(pred_memory, indices, axis=0), axis=1)  # [B, num_classes]
    pseudo_labels = jnp.argmax(mean_logits, axis=1)
    return (pseudo_labels, mean_logits)

if __name__ == "__main__":
    import jax
    _d = setup_inputs()
    print(jax.jit(kernel)(*tuple(_d.values())))

</pallas_src>

<mosaic_0001>
#map = affine_map<(d0, d1) -> (0, 0)>
module attributes {stable_mosaic.version = 14 : i64} {
  func.func @k(%arg0: i32, %arg1: i32, %arg2: memref<100000x128xf32, #tpu.memory_space<hbm>>, %arg3: memref<1x5120xi32, #tpu.memory_space<hbm>>, %arg4: memref<5120x128xf32, #tpu.memory_space<hbm>>) attributes {dimension_semantics = [#tpu.dimension_semantics<core_parallel>, #tpu.dimension_semantics<subcore_parallel>], iteration_bounds = array<i64: 2, 16>, scalar_prefetch = 0 : i64, scratch_operands = 0 : i64, tpu.core_type = #tpu.core_type<sc_vector_subcore>, window_params = [{transform_indices = #map}, {transform_indices = #map}, {transform_indices = #map}]} {
    %mul3A = arith.constant 1 : i32
    %mul3A_0 = arith.muli %arg1, %mul3A : i32
    %add3A = arith.constant 0 : i32
    %add3A_1 = arith.addi %add3A, %mul3A_0 : i32
    %mul3A_2 = arith.constant 16 : i32
    %mul3A_3 = arith.muli %arg0, %mul3A_2 : i32
    %add3A_4 = arith.addi %add3A_1, %mul3A_3 : i32
    %lt3A = arith.constant 8 : i32
    %lt3A_5 = arith.cmpi slt, %add3A_4, %lt3A : i32
    %jit3A = arith.constant 2 : i32
    %jit3A_6 = arith.constant 1 : i32
    %select_n3A = arith.select %lt3A_5, %jit3A, %jit3A_6 : i32
    %lt3A_7 = arith.constant 8 : i32
    %lt3A_8 = arith.cmpi slt, %add3A_4, %lt3A_7 : i32
    %mul3A_9 = arith.muli %add3A_4, %select_n3A : i32
    %mul3A_10 = arith.constant 1 : i32
    %mul3A_11 = arith.muli %add3A_4, %mul3A_10 : i32
    %add3A_12 = arith.constant 8 : i32
    %add3A_13 = arith.addi %mul3A_11, %add3A_12 : i32
    %select_n3A_14 = arith.select %lt3A_8, %mul3A_9, %add3A_13 : i32
    %mul3A_15 = arith.constant 1 : i32
    %mul3A_16 = arith.muli %mul3A_15, %select_n3A : i32
    "tpu.region"() ({
      %run_scoped3A = memref.alloca() : memref<2x1x128xi32, #tpu.memory_space<vmem>>
      %run_scoped3A_17 = tpu.sem_alloc : memref<2x!tpu.dma_semaphore, #tpu.memory_space<semaphore_mem>>
      %run_scoped3A_18 = memref.alloca() : memref<2x128x128xf32, #tpu.memory_space<vmem>>
      %run_scoped3A_19 = tpu.sem_alloc : memref<2x!tpu.dma_semaphore, #tpu.memory_space<semaphore_mem>>
      %gt3A = arith.constant 0 : i32
      %gt3A_20 = arith.cmpi sgt, %mul3A_16, %gt3A : i32
      %convert_element_type3A = arith.extui %gt3A_20 : i1 to i32
      %cond3A = arith.constant 0 : i32
      %cond3A_21 = arith.cmpi ne, %convert_element_type3A, %cond3A : i32
      scf.if %cond3A_21 {
        %mul3A_22 = arith.constant 1 : i32
        %mul3A_23 = arith.muli %mul3A_22, %select_n3A : i32
        %sub3A = arith.constant 1 : i32
        %sub3A_24 = arith.subi %mul3A_23, %sub3A : i32
        %eq3A = arith.constant 0 : i32
        %eq3A_25 = arith.cmpi eq, %sub3A_24, %eq3A : i32
        %add3A_26 = arith.constant 0 : i32
        %add3A_27 = arith.addi %add3A_26, %select_n3A_14 : i32
        %select_n3A_28 = arith.constant true
        %select_n3A_29 = arith.constant 0 : i32
        %select_n3A_30 = arith.constant -1 : i32
        %select_n3A_31 = arith.select %select_n3A_28, %select_n3A_30, %select_n3A_29 : i32
        %eq3A_32 = arith.constant -1 : i32
        %eq3A_33 = arith.cmpi eq, %select_n3A_31, %eq3A_32 : i32
        %sub3A_34 = arith.constant 1 : i32
        %sub3A_35 = arith.subi %select_n3A, %sub3A_34 : i32
        %select_n3A_36 = arith.select %eq3A_33, %sub3A_35, %select_n3A_31 : i32
        %add3A_37 = arith.addi %select_n3A_36, %select_n3A_14 : i32
        %select_n3A_38 = arith.constant true
        %select_n3A_39 = arith.constant 0 : i32
        %select_n3A_40 = arith.constant 1 : i32
        %select_n3A_41 = arith.select %select_n3A_38, %select_n3A_40, %select_n3A_39 : i32
        %eq3A_42 = arith.cmpi eq, %select_n3A_41, %select_n3A : i32
        %select_n3A_43 = arith.constant 0 : i32
        %select_n3A_44 = arith.select %eq3A_42, %select_n3A_43, %select_n3A_41 : i32
        %add3A_45 = arith.addi %select_n3A_44, %select_n3A_14 : i32
        %add3A_46 = arith.constant 1 : i32
        %add3A_47 = arith.addi %select_n3A_44, %add3A_46 : i32
        %select_n3A_48 = arith.constant true
        %select_n3A_49 = arith.select %select_n3A_48, %add3A_47, %select_n3A_44 : i32
        %eq3A_50 = arith.cmpi eq, %select_n3A_49, %select_n3A : i32
        %select_n3A_51 = arith.constant 0 : i32
        %select_n3A_52 = arith.select %eq3A_50, %select_n3A_51, %select_n3A_49 : i32
        %add3A_53 = arith.addi %select_n3A_52, %select_n3A_14 : i32
        "tpu.trace_start"() <{level = 10 : i32, message = "ep_initialize_0"}> : () -> ()
        %rem3A = arith.constant 0 : i32
        %rem3A_54 = arith.constant 2 : i32
        %rem3A_55 = arith.remui %rem3A, %rem3A_54 : i32
        %mul3A_56 = arith.constant 128 : i32
        %mul3A_57 = arith.muli %mul3A_56, %add3A_27 : i32
        %dma_start3A = arith.constant 0 : i32
        %dma_start3A_58 = arith.constant 0 : i32
        %dma_start3A_59 = tpu.memref_slice %run_scoped3A[%rem3A_55, %dma_start3A, %dma_start3A_58] : memref<2x1x128xi32, #tpu.memory_space<vmem>> -> memref<1x1x128xi32, #tpu.memory_space<vmem>>
        %dma_start3A_60 = tpu.memref_squeeze %dma_start3A_59 : memref<1x1x128xi32, #tpu.memory_space<vmem>> -> memref<1x128xi32, #tpu.memory_space<vmem>>
        %dma_start3A_61 = arith.constant 0 : i32
        %dma_start3A_62 = tpu.memref_slice %arg3[%dma_start3A_61, %mul3A_57] : memref<1x5120xi32, #tpu.memory_space<hbm>> -> memref<1x128xi32, #tpu.memory_space<hbm>>
        %dma_start3A_63 = tpu.memref_slice %run_scoped3A_17[%rem3A_55] : memref<2x!tpu.dma_semaphore, #tpu.memory_space<semaphore_mem>> -> memref<1x!tpu.dma_semaphore, #tpu.memory_space<semaphore_mem>>
        %dma_start3A_64 = tpu.memref_squeeze %dma_start3A_63 : memref<1x!tpu.dma_semaphore, #tpu.memory_space<semaphore_mem>> -> memref<!tpu.dma_semaphore, #tpu.memory_space<semaphore_mem>>
        %dma_start3A_65 = arith.constant 0 : i32
        %dma_start3A_66 = arith.constant 0 : i32
        %dma_start3A_67 = tpu.memref_slice %run_scoped3A[%rem3A_55, %dma_start3A_65, %dma_start3A_66] : memref<2x1x128xi32, #tpu.memory_space<vmem>> -> memref<1x1x128xi32, #tpu.memory_space<vmem>>
        %dma_start3A_68 = tpu.memref_squeeze %dma_start3A_67 : memref<1x1x128xi32, #tpu.memory_space<vmem>> -> memref<1x128xi32, #tpu.memory_space<vmem>>
        %dma_start3A_69 = arith.constant 0 : i32
        %dma_start3A_70 = tpu.memref_slice %arg3[%dma_start3A_69, %mul3A_57] : memref<1x5120xi32, #tpu.memory_space<hbm>> -> memref<1x128xi32, #tpu.memory_space<hbm>>
        tpu.enqueue_dma source(%dma_start3A_70 : memref<1x128xi32, #tpu.memory_space<hbm>>) target(%dma_start3A_68 : memref<1x128xi32, #tpu.memory_space<vmem>>) target_semaphore(%dma_start3A_64 : memref<!tpu.dma_semaphore, #tpu.memory_space<semaphore_mem>>)
        %add3A_71 = arith.constant 0 : i32
        %add3A_72 = arith.constant 1 : i32
        %add3A_73 = arith.addi %add3A_71, %add3A_72 : i32
        %select_n3A_74 = arith.constant true
        %select_n3A_75 = arith.constant 0 : i32
        %select_n3A_76 = arith.select %select_n3A_74, %add3A_73, %select_n3A_75 : i32
        %while3A = arith.constant 0 : i32
        %while3A_77 = arith.constant 0 : i32
        %while3A_78 = arith.constant 0 : i32
        %while3A_79 = arith.constant 0 : i32
        %while3A_80 = arith.constant 0 : i32
        "tpu.trace_stop"() : () -> ()
        %while3A_81 = arith.subi %mul3A_16, %while3A : i32
        %while3A_82 = arith.addi %while3A, %while3A_81 : i32
        %while3A_83 = arith.constant 1 : i32
        %while3A_84 = arith.divsi %while3A_81, %while3A_83 : i32
        %while3A_85 = arith.muli %while3A_84, %while3A_83 : i32
        %while3A_86 = arith.addi %while3A, %while3A_85 : i32
        %while3A_87 = arith.constant 1 : i32
        %while3A_88:5 = scf.for %while3A_142 = %while3A to %while3A_86 step %while3A_87 iter_args(%while3A_143 = %select_n3A_76, %while3A_144 = %while3A_77, %while3A_145 = %while3A_78, %while3A_146 = %while3A_79, %while3A_147 = %while3A_80) -> (i32, i32, i32, i32, i32)  : i32 {
          %mul3A_148 = arith.constant 1 : i32
          %mul3A_149 = arith.muli %mul3A_148, %select_n3A : i32
          %eq3A_150 = arith.constant 0 : i32
          %eq3A_151 = arith.cmpi eq, %while3A_142, %eq3A_150 : i32
          %sub3A_152 = arith.constant 1 : i32
          %sub3A_153 = arith.subi %mul3A_149, %sub3A_152 : i32
          %eq3A_154 = arith.cmpi eq, %while3A_142, %sub3A_153 : i32
          %add3A_155 = arith.addi %while3A_147, %select_n3A_14 : i32
          %sub3A_156 = arith.constant 1 : i32
          %sub3A_157 = arith.subi %while3A_147, %sub3A_156 : i32
          %select_n3A_158 = arith.constant true
          %select_n3A_159 = arith.select %select_n3A_158, %sub3A_157, %while3A_147 : i32
          %eq3A_160 = arith.constant -1 : i32
          %eq3A_161 = arith.cmpi eq, %select_n3A_159, %eq3A_160 : i32
          %sub3A_162 = arith.constant 1 : i32
          %sub3A_163 = arith.subi %select_n3A, %sub3A_162 : i32
          %select_n3A_164 = arith.select %eq3A_161, %sub3A_163, %select_n3A_159 : i32
          %add3A_165 = arith.addi %select_n3A_164, %select_n3A_14 : i32
          %add3A_166 = arith.constant 1 : i32
          %add3A_167 = arith.addi %while3A_147, %add3A_166 : i32
          %select_n3A_168 = arith.constant true
          %select_n3A_169 = arith.select %select_n3A_168, %add3A_167, %while3A_147 : i32
          %eq3A_170 = arith.cmpi eq, %select_n3A_169, %select_n3A : i32
          %select_n3A_171 = arith.constant 0 : i32
          %select_n3A_172 = arith.select %eq3A_170, %select_n3A_171, %select_n3A_169 : i32
          %add3A_173 = arith.addi %select_n3A_172, %select_n3A_14 : i32
          %add3A_174 = arith.constant 1 : i32
          %add3A_175 = arith.addi %select_n3A_172, %add3A_174 : i32
          %select_n3A_176 = arith.constant true
          %select_n3A_177 = arith.select %select_n3A_176, %add3A_175, %select_n3A_172 : i32
          %eq3A_178 = arith.cmpi eq, %select_n3A_177, %select_n3A : i32
          %select_n3A_179 = arith.constant 0 : i32
          %select_n3A_180 = arith.select %eq3A_178, %select_n3A_179, %select_n3A_177 : i32
          %add3A_181 = arith.addi %select_n3A_180, %select_n3A_14 : i32
          %ne3A = arith.cmpi ne, %add3A_155, %add3A_173 : i32
          %or3A = arith.constant false
          %or3A_182 = arith.ori %or3A, %ne3A : i1
          %sub3A_183 = arith.constant 2 : i32
          %sub3A_184 = arith.subi %mul3A_149, %sub3A_183 : i32
          %add3A_185 = arith.constant 1 : i32
          %add3A_186 = arith.addi %sub3A_184, %add3A_185 : i32
          %ge3A = arith.cmpi sge, %while3A_142, %add3A_186 : i32
          %not3A = arith.constant true
          %not3A_187 = arith.xori %ge3A, %not3A : i1
          %and3A = arith.andi %or3A_182, %not3A_187 : i1
          %convert_element_type3A_188 = arith.extui %and3A : i1 to i32
          %cond3A_189 = arith.constant 0 : i32
          %cond3A_190 = arith.cmpi ne, %convert_element_type3A_188, %cond3A_189 : i32
          scf.if %cond3A_190 {
            "tpu.trace_start"() <{level = 10 : i32, message = "ep_copy_in"}> : () -> ()
            %rem3A_294 = arith.constant 2 : i32
            %rem3A_295 = arith.remui %while3A_143, %rem3A_294 : i32
            %mul3A_296 = arith.constant 128 : i32
            %mul3A_297 = arith.muli %mul3A_296, %add3A_173 : i32
            %dma_start3A_298 = arith.constant 0 : i32
            %dma_start3A_299 = arith.constant 0 : i32
            %dma_start3A_300 = tpu.memref_slice %run_scoped3A[%rem3A_295, %dma_start3A_298, %dma_start3A_299] : memref<2x1x128xi32, #tpu.memory_space<vmem>> -> memref<1x1x128xi32, #tpu.memory_space<vmem>>
            %dma_start3A_301 = tpu.memref_squeeze %dma_start3A_300 : memref<1x1x128xi32, #tpu.memory_space<vmem>> -> memref<1x128xi32, #tpu.memory_space<vmem>>
            %dma_start3A_302 = arith.constant 0 : i32
            %dma_start3A_303 = tpu.memref_slice %arg3[%dma_start3A_302, %mul3A_297] : memref<1x5120xi32, #tpu.memory_space<hbm>> -> memref<1x128xi32, #tpu.memory_space<hbm>>
            %dma_start3A_304 = tpu.memref_slice %run_scoped3A_17[%rem3A_295] : memref<2x!tpu.dma_semaphore, #tpu.memory_space<semaphore_mem>> -> memref<1x!tpu.dma_semaphore, #tpu.memory_space<semaphore_mem>>
            %dma_start3A_305 = tpu.memref_squeeze %dma_start3A_304 : memref<1x!tpu.dma_semaphore, #tpu.memory_space<semaphore_mem>> -> memref<!tpu.dma_semaphore, #tpu.memory_space<semaphore_mem>>
            %dma_start3A_306 = arith.constant 0 : i32
            %dma_start3A_307 = arith.constant 0 : i32
            %dma_start3A_308 = tpu.memref_slice %run_scoped3A[%rem3A_295, %dma_start3A_306, %dma_start3A_307] : memref<2x1x128xi32, #tpu.memory_space<vmem>> -> memref<1x1x128xi32, #tpu.memory_space<vmem>>
            %dma_start3A_309 = tpu.memref_squeeze %dma_start3A_308 : memref<1x1x128xi32, #tpu.memory_space<vmem>> -> memref<1x128xi32, #tpu.memory_space<vmem>>
            %dma_start3A_310 = arith.constant 0 : i32
            %dma_start3A_311 = tpu.memref_slice %arg3[%dma_start3A_310, %mul3A_297] : memref<1x5120xi32, #tpu.memory_space<hbm>> -> memref<1x128xi32, #tpu.memory_space<hbm>>
            tpu.enqueue_dma source(%dma_start3A_311 : memref<1x128xi32, #tpu.memory_space<hbm>>) target(%dma_start3A_309 : memref<1x128xi32, #tpu.memory_space<vmem>>) target_semaphore(%dma_start3A_305 : memref<!tpu.dma_semaphore, #tpu.memory_space<semaphore_mem>>)
            "tpu.trace_stop"() : () -> ()
          } else {
          }
          %and3A_191 = arith.constant true
          %and3A_192 = arith.andi %and3A, %and3A_191 : i1
          %add3A_193 = arith.constant 1 : i32
          %add3A_194 = arith.addi %while3A_143, %add3A_193 : i32
          %select_n3A_195 = arith.select %and3A_192, %add3A_194, %while3A_143 : i32
          %ne3A_196 = arith.cmpi ne, %add3A_155, %add3A_173 : i32
          %or3A_197 = arith.constant false
          %or3A_198 = arith.ori %or3A_197, %ne3A_196 : i1
          %or3A_199 = arith.constant false
          %or3A_200 = arith.ori %or3A_198, %or3A_199 : i1
          %sub3A_201 = arith.constant 2 : i32
          %sub3A_202 = arith.subi %mul3A_149, %sub3A_201 : i32
          %add3A_203 = arith.constant 1 : i32
          %add3A_204 = arith.addi %sub3A_202, %add3A_203 : i32
          %ge3A_205 = arith.cmpi sge, %while3A_142, %add3A_204 : i32
          %not3A_206 = arith.constant true
          %not3A_207 = arith.xori %ge3A_205, %not3A_206 : i1
          %and3A_208 = arith.andi %or3A_200, %not3A_207 : i1
          %ne3A_209 = arith.cmpi ne, %add3A_155, %add3A_165 : i32
          %or3A_210 = arith.constant false
          %or3A_211 = arith.ori %or3A_210, %ne3A_209 : i1
          %or3A_212 = arith.ori %or3A_211, %eq3A_151 : i1
          %convert_element_type3A_213 = arith.extui %or3A_212 : i1 to i32
          %cond3A_214 = arith.constant 0 : i32
          %cond3A_215 = arith.cmpi ne, %convert_element_type3A_213, %cond3A_214 : i32
          scf.if %cond3A_215 {
            "tpu.trace_start"() <{level = 10 : i32, message = "ep_wait_in"}> : () -> ()
            %mul3A_294 = arith.constant 128 : i32
            %mul3A_295 = arith.muli %mul3A_294, %add3A_155 : i32
            %rem3A_296 = arith.constant 2 : i32
            %rem3A_297 = arith.remui %while3A_144, %rem3A_296 : i32
            %dma_wait3A = arith.constant 0 : i32
            %dma_wait3A_298 = arith.constant 0 : i32
            %dma_wait3A_299 = tpu.memref_slice %run_scoped3A[%rem3A_297, %dma_wait3A, %dma_wait3A_298] : memref<2x1x128xi32, #tpu.memory_space<vmem>> -> memref<1x1x128xi32, #tpu.memory_space<vmem>>
            %dma_wait3A_300 = tpu.memref_squeeze %dma_wait3A_299 : memref<1x1x128xi32, #tpu.memory_space<vmem>> -> memref<1x128xi32, #tpu.memory_space<vmem>>
            %dma_wait3A_301 = arith.constant 0 : i32
            %dma_wait3A_302 = tpu.memref_slice %arg3[%dma_wait3A_301, %mul3A_295] : memref<1x5120xi32, #tpu.memory_space<hbm>> -> memref<1x128xi32, #tpu.memory_space<hbm>>
            %dma_wait3A_303 = tpu.memref_slice %run_scoped3A_17[%rem3A_297] : memref<2x!tpu.dma_semaphore, #tpu.memory_space<semaphore_mem>> -> memref<1x!tpu.dma_semaphore, #tpu.memory_space<semaphore_mem>>
            %dma_wait3A_304 = tpu.memref_squeeze %dma_wait3A_303 : memref<1x!tpu.dma_semaphore, #tpu.memory_space<semaphore_mem>> -> memref<!tpu.dma_semaphore, #tpu.memory_space<semaphore_mem>>
            %dma_wait3A_305 = arith.constant 0 : i32
            %dma_wait3A_306 = arith.constant 0 : i32
            %dma_wait3A_307 = tpu.memref_slice %run_scoped3A[%rem3A_297, %dma_wait3A_305, %dma_wait3A_306] : memref<2x1x128xi32, #tpu.memory_space<vmem>> -> memref<1x1x128xi32, #tpu.memory_space<vmem>>
            %dma_wait3A_308 = tpu.memref_squeeze %dma_wait3A_307 : memref<1x1x128xi32, #tpu.memory_space<vmem>> -> memref<1x128xi32, #tpu.memory_space<vmem>>
            %dma_wait3A_309 = arith.constant 0 : i32
            %dma_wait3A_310 = tpu.memref_slice %arg3[%dma_wait3A_309, %mul3A_295] : memref<1x5120xi32, #tpu.memory_space<hbm>> -> memref<1x128xi32, #tpu.memory_space<hbm>>
            tpu.wait_dma2 semaphore(%dma_wait3A_304 : memref<!tpu.dma_semaphore, #tpu.memory_space<semaphore_mem>>) src(%dma_wait3A_310 : memref<1x128xi32, #tpu.memory_space<hbm>>) dst(%dma_wait3A_308 : memref<1x128xi32, #tpu.memory_space<vmem>>)
            "tpu.trace_stop"() : () -> ()
          } else {
          }
          %ne3A_216 = arith.cmpi ne, %add3A_155, %add3A_165 : i32
          %or3A_217 = arith.constant false
          %or3A_218 = arith.ori %or3A_217, %ne3A_216 : i1
          %or3A_219 = arith.constant false
          %or3A_220 = arith.ori %or3A_218, %or3A_219 : i1
          %or3A_221 = arith.ori %or3A_220, %eq3A_151 : i1
          %convert_element_type3A_222 = arith.extui %or3A_221 : i1 to i32
          %cond3A_223 = arith.constant 0 : i32
          %cond3A_224 = arith.cmpi ne, %convert_element_type3A_222, %cond3A_223 : i32
          scf.if %cond3A_224 {
          } else {
          }
          %rem3A_225 = arith.constant 2 : i32
          %rem3A_226 = arith.remui %while3A_144, %rem3A_225 : i32
          %rem3A_227 = arith.constant 2 : i32
          %rem3A_228 = arith.remui %while3A_145, %rem3A_227 : i32
          %run_scoped3A_229 = arith.constant 0 : i32
          "tpu.trace_start"() <{level = 10 : i32, message = "ep_run_kernel"}> : () -> ()
          "tpu.region"() ({
            %run_scoped3A_294 = tpu.sem_alloc : memref<!tpu.dma_semaphore, #tpu.memory_space<semaphore_mem>>
            %dma_start3A_295 = arith.constant 0 : i32
            %dma_start3A_296 = arith.constant 0 : i32
            %dma_start3A_297 = tpu.memref_slice %run_scoped3A_18[%rem3A_228, %dma_start3A_295, %dma_start3A_296] : memref<2x128x128xf32, #tpu.memory_space<vmem>> -> memref<1x128x128xf32, #tpu.memory_space<vmem>>
            %dma_start3A_298 = tpu.memref_squeeze %dma_start3A_297 : memref<1x128x128xf32, #tpu.memory_space<vmem>> -> memref<128x128xf32, #tpu.memory_space<vmem>>
            %dma_start3A_299 = arith.constant 0 : i32
            %dma_start3A_300 = arith.constant 0 : i32
            %dma_start3A_301 = tpu.memref_slice %run_scoped3A[%rem3A_226, %dma_start3A_299, %dma_start3A_300] : memref<2x1x128xi32, #tpu.memory_space<vmem>> -> memref<1x1x128xi32, #tpu.memory_space<vmem>>
            %dma_start3A_302 = tpu.memref_squeeze %dma_start3A_301 : memref<1x1x128xi32, #tpu.memory_space<vmem>> -> memref<1x128xi32, #tpu.memory_space<vmem>>
            %dma_start3A_303 = arith.constant 0 : i32
            %dma_start3A_304 = tpu.memref_slice %dma_start3A_302[%run_scoped3A_229, %dma_start3A_303] : memref<1x128xi32, #tpu.memory_space<vmem>> -> memref<1x128xi32, #tpu.memory_space<vmem>>
            %dma_start3A_305 = tpu.memref_squeeze %dma_start3A_304 : memref<1x128xi32, #tpu.memory_space<vmem>> -> memref<128xi32, #tpu.memory_space<vmem>>
            %dma_start3A_306 = arith.constant 0 : i32
            %dma_start3A_307 = arith.constant 0 : i32
            %dma_start3A_308 = tpu.memref_slice %arg2[%dma_start3A_306, %dma_start3A_307] : memref<100000x128xf32, #tpu.memory_space<hbm>> -> memref<100000x128xf32, #tpu.memory_space<hbm>>
            tpu.enqueue_indirect_dma source(%dma_start3A_308 : memref<100000x128xf32, #tpu.memory_space<hbm>>) target(%dma_start3A_298 : memref<128x128xf32, #tpu.memory_space<vmem>>) offsets(%dma_start3A_305 : memref<128xi32, #tpu.memory_space<vmem>>) semaphore(%run_scoped3A_294 : memref<!tpu.dma_semaphore, #tpu.memory_space<semaphore_mem>>)
            %dma_wait3A = arith.constant 0 : i32
            %dma_wait3A_309 = arith.constant 0 : i32
            %dma_wait3A_310 = tpu.memref_slice %run_scoped3A_18[%rem3A_228, %dma_wait3A, %dma_wait3A_309] : memref<2x128x128xf32, #tpu.memory_space<vmem>> -> memref<1x128x128xf32, #tpu.memory_space<vmem>>
            %dma_wait3A_311 = tpu.memref_squeeze %dma_wait3A_310 : memref<1x128x128xf32, #tpu.memory_space<vmem>> -> memref<128x128xf32, #tpu.memory_space<vmem>>
            %dma_wait3A_312 = arith.constant 0 : i32
            %dma_wait3A_313 = arith.constant 0 : i32
            %dma_wait3A_314 = tpu.memref_slice %run_scoped3A[%rem3A_226, %dma_wait3A_312, %dma_wait3A_313] : memref<2x1x128xi32, #tpu.memory_space<vmem>> -> memref<1x1x128xi32, #tpu.memory_space<vmem>>
            %dma_wait3A_315 = tpu.memref_squeeze %dma_wait3A_314 : memref<1x1x128xi32, #tpu.memory_space<vmem>> -> memref<1x128xi32, #tpu.memory_space<vmem>>
            %dma_wait3A_316 = arith.constant 0 : i32
            %dma_wait3A_317 = tpu.memref_slice %dma_wait3A_315[%run_scoped3A_229, %dma_wait3A_316] : memref<1x128xi32, #tpu.memory_space<vmem>> -> memref<1x128xi32, #tpu.memory_space<vmem>>
            %dma_wait3A_318 = tpu.memref_squeeze %dma_wait3A_317 : memref<1x128xi32, #tpu.memory_space<vmem>> -> memref<128xi32, #tpu.memory_space<vmem>>
            %dma_wait3A_319 = arith.constant 0 : i32
            %dma_wait3A_320 = arith.constant 0 : i32
            %dma_wait3A_321 = tpu.memref_slice %arg2[%dma_wait3A_319, %dma_wait3A_320] : memref<100000x128xf32, #tpu.memory_space<hbm>> -> memref<100000x128xf32, #tpu.memory_space<hbm>>
            tpu.wait_indirect_dma semaphore(%run_scoped3A_294 : memref<!tpu.dma_semaphore, #tpu.memory_space<semaphore_mem>>) src(%dma_wait3A_321 : memref<100000x128xf32, #tpu.memory_space<hbm>>) dst(%dma_wait3A_311 : memref<128x128xf32, #tpu.memory_space<vmem>>)
            tpu.yield
          }) : () -> ()
          "tpu.trace_stop"() : () -> ()
          %ne3A_230 = arith.cmpi ne, %add3A_155, %add3A_173 : i32
          %or3A_231 = arith.constant false
          %or3A_232 = arith.ori %or3A_231, %ne3A_230 : i1
          %or3A_233 = arith.ori %or3A_232, %eq3A_154 : i1
          %convert_element_type3A_234 = arith.extui %or3A_233 : i1 to i32
          %cond3A_235 = arith.constant 0 : i32
          %cond3A_236 = arith.cmpi ne, %convert_element_type3A_234, %cond3A_235 : i32
          scf.if %cond3A_236 {
          } else {
          }
          %and3A_237 = arith.constant false
          %and3A_238 = arith.andi %or3A_233, %and3A_237 : i1
          %ne3A_239 = arith.cmpi ne, %add3A_155, %add3A_173 : i32
          %or3A_240 = arith.constant false
          %or3A_241 = arith.ori %or3A_240, %ne3A_239 : i1
          %or3A_242 = arith.constant false
          %or3A_243 = arith.ori %or3A_241, %or3A_242 : i1
          %or3A_244 = arith.ori %or3A_243, %eq3A_154 : i1
          %convert_element_type3A_245 = arith.extui %or3A_244 : i1 to i32
          %cond3A_246 = arith.constant 0 : i32
          %cond3A_247 = arith.cmpi ne, %convert_element_type3A_245, %cond3A_246 : i32
          scf.if %cond3A_247 {
            "tpu.trace_start"() <{level = 10 : i32, message = "ep_copy_out"}> : () -> ()
            %rem3A_294 = arith.constant 2 : i32
            %rem3A_295 = arith.remui %while3A_145, %rem3A_294 : i32
            %mul3A_296 = arith.constant 128 : i32
            %mul3A_297 = arith.muli %mul3A_296, %add3A_155 : i32
            %dma_start3A_298 = arith.constant 0 : i32
            %dma_start3A_299 = arith.constant 0 : i32
            %dma_start3A_300 = tpu.memref_slice %run_scoped3A_18[%rem3A_295, %dma_start3A_298, %dma_start3A_299] : memref<2x128x128xf32, #tpu.memory_space<vmem>> -> memref<1x128x128xf32, #tpu.memory_space<vmem>>
            %dma_start3A_301 = tpu.memref_squeeze %dma_start3A_300 : memref<1x128x128xf32, #tpu.memory_space<vmem>> -> memref<128x128xf32, #tpu.memory_space<vmem>>
            %dma_start3A_302 = arith.constant 0 : i32
            %dma_start3A_303 = tpu.memref_slice %arg4[%mul3A_297, %dma_start3A_302] : memref<5120x128xf32, #tpu.memory_space<hbm>> -> memref<128x128xf32, #tpu.memory_space<hbm>>
            %dma_start3A_304 = tpu.memref_slice %run_scoped3A_19[%rem3A_295] : memref<2x!tpu.dma_semaphore, #tpu.memory_space<semaphore_mem>> -> memref<1x!tpu.dma_semaphore, #tpu.memory_space<semaphore_mem>>
            %dma_start3A_305 = tpu.memref_squeeze %dma_start3A_304 : memref<1x!tpu.dma_semaphore, #tpu.memory_space<semaphore_mem>> -> memref<!tpu.dma_semaphore, #tpu.memory_space<semaphore_mem>>
            %dma_start3A_306 = arith.constant 0 : i32
            %dma_start3A_307 = tpu.memref_slice %arg4[%mul3A_297, %dma_start3A_306] : memref<5120x128xf32, #tpu.memory_space<hbm>> -> memref<128x128xf32, #tpu.memory_space<hbm>>
            %dma_start3A_308 = arith.constant 0 : i32
            %dma_start3A_309 = arith.constant 0 : i32
            %dma_start3A_310 = tpu.memref_slice %run_scoped3A_18[%rem3A_295, %dma_start3A_308, %dma_start3A_309] : memref<2x128x128xf32, #tpu.memory_space<vmem>> -> memref<1x128x128xf32, #tpu.memory_space<vmem>>
            %dma_start3A_311 = tpu.memref_squeeze %dma_start3A_310 : memref<1x128x128xf32, #tpu.memory_space<vmem>> -> memref<128x128xf32, #tpu.memory_space<vmem>>
            tpu.enqueue_dma source(%dma_start3A_311 : memref<128x128xf32, #tpu.memory_space<vmem>>) target(%dma_start3A_307 : memref<128x128xf32, #tpu.memory_space<hbm>>) target_semaphore(%dma_start3A_305 : memref<!tpu.dma_semaphore, #tpu.memory_space<semaphore_mem>>)
            "tpu.trace_stop"() : () -> ()
          } else {
          }
          %and3A_248 = arith.constant true
          %and3A_249 = arith.andi %or3A_244, %and3A_248 : i1
          %add3A_250 = arith.constant 1 : i32
          %add3A_251 = arith.addi %while3A_145, %add3A_250 : i32
          %select_n3A_252 = arith.select %and3A_249, %add3A_251, %while3A_145 : i32
          %ne3A_253 = arith.cmpi ne, %add3A_155, %add3A_165 : i32
          %or3A_254 = arith.constant false
          %or3A_255 = arith.ori %or3A_254, %ne3A_253 : i1
          %not3A_256 = arith.constant true
          %not3A_257 = arith.xori %eq3A_151, %not3A_256 : i1
          %and3A_258 = arith.andi %or3A_255, %not3A_257 : i1
          %convert_element_type3A_259 = arith.extui %and3A_258 : i1 to i32
          %cond3A_260 = arith.constant 0 : i32
          %cond3A_261 = arith.cmpi ne, %convert_element_type3A_259, %cond3A_260 : i32
          scf.if %cond3A_261 {
          } else {
          }
          %and3A_262 = arith.constant false
          %and3A_263 = arith.andi %and3A_258, %and3A_262 : i1
          %ne3A_264 = arith.cmpi ne, %add3A_155, %add3A_165 : i32
          %or3A_265 = arith.constant false
          %or3A_266 = arith.ori %or3A_265, %ne3A_264 : i1
          %or3A_267 = arith.constant false
          %or3A_268 = arith.ori %or3A_266, %or3A_267 : i1
          %not3A_269 = arith.constant true
          %not3A_270 = arith.xori %eq3A_151, %not3A_269 : i1
          %and3A_271 = arith.andi %or3A_268, %not3A_270 : i1
          %convert_element_type3A_272 = arith.extui %and3A_271 : i1 to i32
          %cond3A_273 = arith.constant 0 : i32
          %cond3A_274 = arith.cmpi ne, %convert_element_type3A_272, %cond3A_273 : i32
          scf.if %cond3A_274 {
            "tpu.trace_start"() <{level = 10 : i32, message = "ep_wait_out"}> : () -> ()
            %rem3A_294 = arith.constant 2 : i32
            %rem3A_295 = arith.remui %while3A_146, %rem3A_294 : i32
            %mul3A_296 = arith.constant 128 : i32
            %mul3A_297 = arith.muli %mul3A_296, %add3A_165 : i32
            %dma_wait3A = arith.constant 0 : i32
            %dma_wait3A_298 = arith.constant 0 : i32
            %dma_wait3A_299 = tpu.memref_slice %run_scoped3A_18[%rem3A_295, %dma_wait3A, %dma_wait3A_298] : memref<2x128x128xf32, #tpu.memory_space<vmem>> -> memref<1x128x128xf32, #tpu.memory_space<vmem>>
            %dma_wait3A_300 = tpu.memref_squeeze %dma_wait3A_299 : memref<1x128x128xf32, #tpu.memory_space<vmem>> -> memref<128x128xf32, #tpu.memory_space<vmem>>
            %dma_wait3A_301 = arith.constant 0 : i32
            %dma_wait3A_302 = tpu.memref_slice %arg4[%mul3A_297, %dma_wait3A_301] : memref<5120x128xf32, #tpu.memory_space<hbm>> -> memref<128x128xf32, #tpu.memory_space<hbm>>
            %dma_wait3A_303 = tpu.memref_slice %run_scoped3A_19[%rem3A_295] : memref<2x!tpu.dma_semaphore, #tpu.memory_space<semaphore_mem>> -> memref<1x!tpu.dma_semaphore, #tpu.memory_space<semaphore_mem>>
            %dma_wait3A_304 = tpu.memref_squeeze %dma_wait3A_303 : memref<1x!tpu.dma_semaphore, #tpu.memory_space<semaphore_mem>> -> memref<!tpu.dma_semaphore, #tpu.memory_space<semaphore_mem>>
            %dma_wait3A_305 = arith.constant 0 : i32
            %dma_wait3A_306 = tpu.memref_slice %arg4[%mul3A_297, %dma_wait3A_305] : memref<5120x128xf32, #tpu.memory_space<hbm>> -> memref<128x128xf32, #tpu.memory_space<hbm>>
            %dma_wait3A_307 = arith.constant 0 : i32
            %dma_wait3A_308 = arith.constant 0 : i32
            %dma_wait3A_309 = tpu.memref_slice %run_scoped3A_18[%rem3A_295, %dma_wait3A_307, %dma_wait3A_308] : memref<2x128x128xf32, #tpu.memory_space<vmem>> -> memref<1x128x128xf32, #tpu.memory_space<vmem>>
            %dma_wait3A_310 = tpu.memref_squeeze %dma_wait3A_309 : memref<1x128x128xf32, #tpu.memory_space<vmem>> -> memref<128x128xf32, #tpu.memory_space<vmem>>
            tpu.wait_dma2 semaphore(%dma_wait3A_304 : memref<!tpu.dma_semaphore, #tpu.memory_space<semaphore_mem>>) src(%dma_wait3A_310 : memref<128x128xf32, #tpu.memory_space<vmem>>) dst(%dma_wait3A_306 : memref<128x128xf32, #tpu.memory_space<hbm>>)
            "tpu.trace_stop"() : () -> ()
          } else {
          }
          %and3A_275 = arith.constant true
          %and3A_276 = arith.andi %and3A_271, %and3A_275 : i1
          %add3A_277 = arith.constant 1 : i32
          %add3A_278 = arith.addi %while3A_146, %add3A_277 : i32
          %select_n3A_279 = arith.select %and3A_276, %add3A_278, %while3A_146 : i32
          %ne3A_280 = arith.cmpi ne, %add3A_155, %add3A_173 : i32
          %or3A_281 = arith.constant false
          %or3A_282 = arith.ori %or3A_281, %ne3A_280 : i1
          %or3A_283 = arith.ori %or3A_282, %eq3A_154 : i1
          %add3A_284 = arith.constant 1 : i32
          %add3A_285 = arith.addi %while3A_144, %add3A_284 : i32
          %select_n3A_286 = arith.select %or3A_283, %add3A_285, %while3A_144 : i32
          %add3A_287 = arith.constant 1 : i32
          %add3A_288 = arith.addi %while3A_147, %add3A_287 : i32
          %select_n3A_289 = arith.constant true
          %select_n3A_290 = arith.select %select_n3A_289, %add3A_288, %while3A_147 : i32
          %eq3A_291 = arith.cmpi eq, %select_n3A_290, %select_n3A : i32
          %select_n3A_292 = arith.constant 0 : i32
          %select_n3A_293 = arith.select %eq3A_291, %select_n3A_292, %select_n3A_290 : i32
          scf.yield %select_n3A_195, %select_n3A_286, %select_n3A_252, %select_n3A_279, %select_n3A_293 : i32, i32, i32, i32, i32
        }
        %while3A_89 = arith.constant 1 : i32
        %while3A_90:5 = scf.for %while3A_142 = %while3A_86 to %while3A_82 step %while3A_89 iter_args(%while3A_143 = %while3A_88#0, %while3A_144 = %while3A_88#1, %while3A_145 = %while3A_88#2, %while3A_146 = %while3A_88#3, %while3A_147 = %while3A_88#4) -> (i32, i32, i32, i32, i32)  : i32 {
          %mul3A_148 = arith.constant 1 : i32
          %mul3A_149 = arith.muli %mul3A_148, %select_n3A : i32
          %eq3A_150 = arith.constant 0 : i32
          %eq3A_151 = arith.cmpi eq, %while3A_142, %eq3A_150 : i32
          %sub3A_152 = arith.constant 1 : i32
          %sub3A_153 = arith.subi %mul3A_149, %sub3A_152 : i32
          %eq3A_154 = arith.cmpi eq, %while3A_142, %sub3A_153 : i32
          %add3A_155 = arith.addi %while3A_147, %select_n3A_14 : i32
          %sub3A_156 = arith.constant 1 : i32
          %sub3A_157 = arith.subi %while3A_147, %sub3A_156 : i32
          %select_n3A_158 = arith.constant true
          %select_n3A_159 = arith.select %select_n3A_158, %sub3A_157, %while3A_147 : i32
          %eq3A_160 = arith.constant -1 : i32
          %eq3A_161 = arith.cmpi eq, %select_n3A_159, %eq3A_160 : i32
          %sub3A_162 = arith.constant 1 : i32
          %sub3A_163 = arith.subi %select_n3A, %sub3A_162 : i32
          %select_n3A_164 = arith.select %eq3A_161, %sub3A_163, %select_n3A_159 : i32
          %add3A_165 = arith.addi %select_n3A_164, %select_n3A_14 : i32
          %add3A_166 = arith.constant 1 : i32
          %add3A_167 = arith.addi %while3A_147, %add3A_166 : i32
          %select_n3A_168 = arith.constant true
          %select_n3A_169 = arith.select %select_n3A_168, %add3A_167, %while3A_147 : i32
          %eq3A_170 = arith.cmpi eq, %select_n3A_169, %select_n3A : i32
          %select_n3A_171 = arith.constant 0 : i32
          %select_n3A_172 = arith.select %eq3A_170, %select_n3A_171, %select_n3A_169 : i32
          %add3A_173 = arith.addi %select_n3A_172, %select_n3A_14 : i32
          %add3A_174 = arith.constant 1 : i32
          %add3A_175 = arith.addi %select_n3A_172, %add3A_174 : i32
          %select_n3A_176 = arith.constant true
          %select_n3A_177 = arith.select %select_n3A_176, %add3A_175, %select_n3A_172 : i32
          %eq3A_178 = arith.cmpi eq, %select_n3A_177, %select_n3A : i32
          %select_n3A_179 = arith.constant 0 : i32
          %select_n3A_180 = arith.select %eq3A_178, %select_n3A_179, %select_n3A_177 : i32
          %add3A_181 = arith.addi %select_n3A_180, %select_n3A_14 : i32
          %ne3A = arith.cmpi ne, %add3A_155, %add3A_173 : i32
          %or3A = arith.constant false
          %or3A_182 = arith.ori %or3A, %ne3A : i1
          %sub3A_183 = arith.constant 2 : i32
          %sub3A_184 = arith.subi %mul3A_149, %sub3A_183 : i32
          %add3A_185 = arith.constant 1 : i32
          %add3A_186 = arith.addi %sub3A_184, %add3A_185 : i32
          %ge3A = arith.cmpi sge, %while3A_142, %add3A_186 : i32
          %not3A = arith.constant true
          %not3A_187 = arith.xori %ge3A, %not3A : i1
          %and3A = arith.andi %or3A_182, %not3A_187 : i1
          %convert_element_type3A_188 = arith.extui %and3A : i1 to i32
          %cond3A_189 = arith.constant 0 : i32
          %cond3A_190 = arith.cmpi ne, %convert_element_type3A_188, %cond3A_189 : i32
          scf.if %cond3A_190 {
            "tpu.trace_start"() <{level = 10 : i32, message = "ep_copy_in"}> : () -> ()
            %rem3A_294 = arith.constant 2 : i32
            %rem3A_295 = arith.remui %while3A_143, %rem3A_294 : i32
            %mul3A_296 = arith.constant 128 : i32
            %mul3A_297 = arith.muli %mul3A_296, %add3A_173 : i32
            %dma_start3A_298 = arith.constant 0 : i32
            %dma_start3A_299 = arith.constant 0 : i32
            %dma_start3A_300 = tpu.memref_slice %run_scoped3A[%rem3A_295, %dma_start3A_298, %dma_start3A_299] : memref<2x1x128xi32, #tpu.memory_space<vmem>> -> memref<1x1x128xi32, #tpu.memory_space<vmem>>
            %dma_start3A_301 = tpu.memref_squeeze %dma_start3A_300 : memref<1x1x128xi32, #tpu.memory_space<vmem>> -> memref<1x128xi32, #tpu.memory_space<vmem>>
            %dma_start3A_302 = arith.constant 0 : i32
            %dma_start3A_303 = tpu.memref_slice %arg3[%dma_start3A_302, %mul3A_297] : memref<1x5120xi32, #tpu.memory_space<hbm>> -> memref<1x128xi32, #tpu.memory_space<hbm>>
            %dma_start3A_304 = tpu.memref_slice %run_scoped3A_17[%rem3A_295] : memref<2x!tpu.dma_semaphore, #tpu.memory_space<semaphore_mem>> -> memref<1x!tpu.dma_semaphore, #tpu.memory_space<semaphore_mem>>
            %dma_start3A_305 = tpu.memref_squeeze %dma_start3A_304 : memref<1x!tpu.dma_semaphore, #tpu.memory_space<semaphore_mem>> -> memref<!tpu.dma_semaphore, #tpu.memory_space<semaphore_mem>>
            %dma_start3A_306 = arith.constant 0 : i32
            %dma_start3A_307 = arith.constant 0 : i32
            %dma_start3A_308 = tpu.memref_slice %run_scoped3A[%rem3A_295, %dma_start3A_306, %dma_start3A_307] : memref<2x1x128xi32, #tpu.memory_space<vmem>> -> memref<1x1x128xi32, #tpu.memory_space<vmem>>
            %dma_start3A_309 = tpu.memref_squeeze %dma_start3A_308 : memref<1x1x128xi32, #tpu.memory_space<vmem>> -> memref<1x128xi32, #tpu.memory_space<vmem>>
            %dma_start3A_310 = arith.constant 0 : i32
            %dma_start3A_311 = tpu.memref_slice %arg3[%dma_start3A_310, %mul3A_297] : memref<1x5120xi32, #tpu.memory_space<hbm>> -> memref<1x128xi32, #tpu.memory_space<hbm>>
            tpu.enqueue_dma source(%dma_start3A_311 : memref<1x128xi32, #tpu.memory_space<hbm>>) target(%dma_start3A_309 : memref<1x128xi32, #tpu.memory_space<vmem>>) target_semaphore(%dma_start3A_305 : memref<!tpu.dma_semaphore, #tpu.memory_space<semaphore_mem>>)
            "tpu.trace_stop"() : () -> ()
          } else {
          }
          %and3A_191 = arith.constant true
          %and3A_192 = arith.andi %and3A, %and3A_191 : i1
          %add3A_193 = arith.constant 1 : i32
          %add3A_194 = arith.addi %while3A_143, %add3A_193 : i32
          %select_n3A_195 = arith.select %and3A_192, %add3A_194, %while3A_143 : i32
          %ne3A_196 = arith.cmpi ne, %add3A_155, %add3A_173 : i32
          %or3A_197 = arith.constant false
          %or3A_198 = arith.ori %or3A_197, %ne3A_196 : i1
          %or3A_199 = arith.constant false
          %or3A_200 = arith.ori %or3A_198, %or3A_199 : i1
          %sub3A_201 = arith.constant 2 : i32
          %sub3A_202 = arith.subi %mul3A_149, %sub3A_201 : i32
          %add3A_203 = arith.constant 1 : i32
          %add3A_204 = arith.addi %sub3A_202, %add3A_203 : i32
          %ge3A_205 = arith.cmpi sge, %while3A_142, %add3A_204 : i32
          %not3A_206 = arith.constant true
          %not3A_207 = arith.xori %ge3A_205, %not3A_206 : i1
          %and3A_208 = arith.andi %or3A_200, %not3A_207 : i1
          %ne3A_209 = arith.cmpi ne, %add3A_155, %add3A_165 : i32
          %or3A_210 = arith.constant false
          %or3A_211 = arith.ori %or3A_210, %ne3A_209 : i1
          %or3A_212 = arith.ori %or3A_211, %eq3A_151 : i1
          %convert_element_type3A_213 = arith.extui %or3A_212 : i1 to i32
          %cond3A_214 = arith.constant 0 : i32
          %cond3A_215 = arith.cmpi ne, %convert_element_type3A_213, %cond3A_214 : i32
          scf.if %cond3A_215 {
            "tpu.trace_start"() <{level = 10 : i32, message = "ep_wait_in"}> : () -> ()
            %mul3A_294 = arith.constant 128 : i32
            %mul3A_295 = arith.muli %mul3A_294, %add3A_155 : i32
            %rem3A_296 = arith.constant 2 : i32
            %rem3A_297 = arith.remui %while3A_144, %rem3A_296 : i32
            %dma_wait3A = arith.constant 0 : i32
            %dma_wait3A_298 = arith.constant 0 : i32
            %dma_wait3A_299 = tpu.memref_slice %run_scoped3A[%rem3A_297, %dma_wait3A, %dma_wait3A_298] : memref<2x1x128xi32, #tpu.memory_space<vmem>> -> memref<1x1x128xi32, #tpu.memory_space<vmem>>
            %dma_wait3A_300 = tpu.memref_squeeze %dma_wait3A_299 : memref<1x1x128xi32, #tpu.memory_space<vmem>> -> memref<1x128xi32, #tpu.memory_space<vmem>>
            %dma_wait3A_301 = arith.constant 0 : i32
            %dma_wait3A_302 = tpu.memref_slice %arg3[%dma_wait3A_301, %mul3A_295] : memref<1x5120xi32, #tpu.memory_space<hbm>> -> memref<1x128xi32, #tpu.memory_space<hbm>>
            %dma_wait3A_303 = tpu.memref_slice %run_scoped3A_17[%rem3A_297] : memref<2x!tpu.dma_semaphore, #tpu.memory_space<semaphore_mem>> -> memref<1x!tpu.dma_semaphore, #tpu.memory_space<semaphore_mem>>
            %dma_wait3A_304 = tpu.memref_squeeze %dma_wait3A_303 : memref<1x!tpu.dma_semaphore, #tpu.memory_space<semaphore_mem>> -> memref<!tpu.dma_semaphore, #tpu.memory_space<semaphore_mem>>
            %dma_wait3A_305 = arith.constant 0 : i32
            %dma_wait3A_306 = arith.constant 0 : i32
            %dma_wait3A_307 = tpu.memref_slice %run_scoped3A[%rem3A_297, %dma_wait3A_305, %dma_wait3A_306] : memref<2x1x128xi32, #tpu.memory_space<vmem>> -> memref<1x1x128xi32, #tpu.memory_space<vmem>>
            %dma_wait3A_308 = tpu.memref_squeeze %dma_wait3A_307 : memref<1x1x128xi32, #tpu.memory_space<vmem>> -> memref<1x128xi32, #tpu.memory_space<vmem>>
            %dma_wait3A_309 = arith.constant 0 : i32
            %dma_wait3A_310 = tpu.memref_slice %arg3[%dma_wait3A_309, %mul3A_295] : memref<1x5120xi32, #tpu.memory_space<hbm>> -> memref<1x128xi32, #tpu.memory_space<hbm>>
            tpu.wait_dma2 semaphore(%dma_wait3A_304 : memref<!tpu.dma_semaphore, #tpu.memory_space<semaphore_mem>>) src(%dma_wait3A_310 : memref<1x128xi32, #tpu.memory_space<hbm>>) dst(%dma_wait3A_308 : memref<1x128xi32, #tpu.memory_space<vmem>>)
            "tpu.trace_stop"() : () -> ()
          } else {
          }
          %ne3A_216 = arith.cmpi ne, %add3A_155, %add3A_165 : i32
          %or3A_217 = arith.constant false
          %or3A_218 = arith.ori %or3A_217, %ne3A_216 : i1
          %or3A_219 = arith.constant false
          %or3A_220 = arith.ori %or3A_218, %or3A_219 : i1
          %or3A_221 = arith.ori %or3A_220, %eq3A_151 : i1
          %convert_element_type3A_222 = arith.extui %or3A_221 : i1 to i32
          %cond3A_223 = arith.constant 0 : i32
          %cond3A_224 = arith.cmpi ne, %convert_element_type3A_222, %cond3A_223 : i32
          scf.if %cond3A_224 {
          } else {
          }
          %rem3A_225 = arith.constant 2 : i32
          %rem3A_226 = arith.remui %while3A_144, %rem3A_225 : i32
          %rem3A_227 = arith.constant 2 : i32
          %rem3A_228 = arith.remui %while3A_145, %rem3A_227 : i32
          %run_scoped3A_229 = arith.constant 0 : i32
          "tpu.trace_start"() <{level = 10 : i32, message = "ep_run_kernel"}> : () -> ()
          "tpu.region"() ({
            %run_scoped3A_294 = tpu.sem_alloc : memref<!tpu.dma_semaphore, #tpu.memory_space<semaphore_mem>>
            %dma_start3A_295 = arith.constant 0 : i32
            %dma_start3A_296 = arith.constant 0 : i32
            %dma_start3A_297 = tpu.memref_slice %run_scoped3A_18[%rem3A_228, %dma_start3A_295, %dma_start3A_296] : memref<2x128x128xf32, #tpu.memory_space<vmem>> -> memref<1x128x128xf32, #tpu.memory_space<vmem>>
            %dma_start3A_298 = tpu.memref_squeeze %dma_start3A_297 : memref<1x128x128xf32, #tpu.memory_space<vmem>> -> memref<128x128xf32, #tpu.memory_space<vmem>>
            %dma_start3A_299 = arith.constant 0 : i32
            %dma_start3A_300 = arith.constant 0 : i32
            %dma_start3A_301 = tpu.memref_slice %run_scoped3A[%rem3A_226, %dma_start3A_299, %dma_start3A_300] : memref<2x1x128xi32, #tpu.memory_space<vmem>> -> memref<1x1x128xi32, #tpu.memory_space<vmem>>
            %dma_start3A_302 = tpu.memref_squeeze %dma_start3A_301 : memref<1x1x128xi32, #tpu.memory_space<vmem>> -> memref<1x128xi32, #tpu.memory_space<vmem>>
            %dma_start3A_303 = arith.constant 0 : i32
            %dma_start3A_304 = tpu.memref_slice %dma_start3A_302[%run_scoped3A_229, %dma_start3A_303] : memref<1x128xi32, #tpu.memory_space<vmem>> -> memref<1x128xi32, #tpu.memory_space<vmem>>
            %dma_start3A_305 = tpu.memref_squeeze %dma_start3A_304 : memref<1x128xi32, #tpu.memory_space<vmem>> -> memref<128xi32, #tpu.memory_space<vmem>>
            %dma_start3A_306 = arith.constant 0 : i32
            %dma_start3A_307 = arith.constant 0 : i32
            %dma_start3A_308 = tpu.memref_slice %arg2[%dma_start3A_306, %dma_start3A_307] : memref<100000x128xf32, #tpu.memory_space<hbm>> -> memref<100000x128xf32, #tpu.memory_space<hbm>>
            tpu.enqueue_indirect_dma source(%dma_start3A_308 : memref<100000x128xf32, #tpu.memory_space<hbm>>) target(%dma_start3A_298 : memref<128x128xf32, #tpu.memory_space<vmem>>) offsets(%dma_start3A_305 : memref<128xi32, #tpu.memory_space<vmem>>) semaphore(%run_scoped3A_294 : memref<!tpu.dma_semaphore, #tpu.memory_space<semaphore_mem>>)
            %dma_wait3A = arith.constant 0 : i32
            %dma_wait3A_309 = arith.constant 0 : i32
            %dma_wait3A_310 = tpu.memref_slice %run_scoped3A_18[%rem3A_228, %dma_wait3A, %dma_wait3A_309] : memref<2x128x128xf32, #tpu.memory_space<vmem>> -> memref<1x128x128xf32, #tpu.memory_space<vmem>>
            %dma_wait3A_311 = tpu.memref_squeeze %dma_wait3A_310 : memref<1x128x128xf32, #tpu.memory_space<vmem>> -> memref<128x128xf32, #tpu.memory_space<vmem>>
            %dma_wait3A_312 = arith.constant 0 : i32
            %dma_wait3A_313 = arith.constant 0 : i32
            %dma_wait3A_314 = tpu.memref_slice %run_scoped3A[%rem3A_226, %dma_wait3A_312, %dma_wait3A_313] : memref<2x1x128xi32, #tpu.memory_space<vmem>> -> memref<1x1x128xi32, #tpu.memory_space<vmem>>
            %dma_wait3A_315 = tpu.memref_squeeze %dma_wait3A_314 : memref<1x1x128xi32, #tpu.memory_space<vmem>> -> memref<1x128xi32, #tpu.memory_space<vmem>>
            %dma_wait3A_316 = arith.constant 0 : i32
            %dma_wait3A_317 = tpu.memref_slice %dma_wait3A_315[%run_scoped3A_229, %dma_wait3A_316] : memref<1x128xi32, #tpu.memory_space<vmem>> -> memref<1x128xi32, #tpu.memory_space<vmem>>
            %dma_wait3A_318 = tpu.memref_squeeze %dma_wait3A_317 : memref<1x128xi32, #tpu.memory_space<vmem>> -> memref<128xi32, #tpu.memory_space<vmem>>
            %dma_wait3A_319 = arith.constant 0 : i32
            %dma_wait3A_320 = arith.constant 0 : i32
            %dma_wait3A_321 = tpu.memref_slice %arg2[%dma_wait3A_319, %dma_wait3A_320] : memref<100000x128xf32, #tpu.memory_space<hbm>> -> memref<100000x128xf32, #tpu.memory_space<hbm>>
            tpu.wait_indirect_dma semaphore(%run_scoped3A_294 : memref<!tpu.dma_semaphore, #tpu.memory_space<semaphore_mem>>) src(%dma_wait3A_321 : memref<100000x128xf32, #tpu.memory_space<hbm>>) dst(%dma_wait3A_311 : memref<128x128xf32, #tpu.memory_space<vmem>>)
            tpu.yield
          }) : () -> ()
          "tpu.trace_stop"() : () -> ()
          %ne3A_230 = arith.cmpi ne, %add3A_155, %add3A_173 : i32
          %or3A_231 = arith.constant false
          %or3A_232 = arith.ori %or3A_231, %ne3A_230 : i1
          %or3A_233 = arith.ori %or3A_232, %eq3A_154 : i1
          %convert_element_type3A_234 = arith.extui %or3A_233 : i1 to i32
          %cond3A_235 = arith.constant 0 : i32
          %cond3A_236 = arith.cmpi ne, %convert_element_type3A_234, %cond3A_235 : i32
          scf.if %cond3A_236 {
          } else {
          }
          %and3A_237 = arith.constant false
          %and3A_238 = arith.andi %or3A_233, %and3A_237 : i1
          %ne3A_239 = arith.cmpi ne, %add3A_155, %add3A_173 : i32
          %or3A_240 = arith.constant false
          %or3A_241 = arith.ori %or3A_240, %ne3A_239 : i1
          %or3A_242 = arith.constant false
          %or3A_243 = arith.ori %or3A_241, %or3A_242 : i1
          %or3A_244 = arith.ori %or3A_243, %eq3A_154 : i1
          %convert_element_type3A_245 = arith.extui %or3A_244 : i1 to i32
          %cond3A_246 = arith.constant 0 : i32
          %cond3A_247 = arith.cmpi ne, %convert_element_type3A_245, %cond3A_246 : i32
          scf.if %cond3A_247 {
            "tpu.trace_start"() <{level = 10 : i32, message = "ep_copy_out"}> : () -> ()
            %rem3A_294 = arith.constant 2 : i32
            %rem3A_295 = arith.remui %while3A_145, %rem3A_294 : i32
            %mul3A_296 = arith.constant 128 : i32
            %mul3A_297 = arith.muli %mul3A_296, %add3A_155 : i32
            %dma_start3A_298 = arith.constant 0 : i32
            %dma_start3A_299 = arith.constant 0 : i32
            %dma_start3A_300 = tpu.memref_slice %run_scoped3A_18[%rem3A_295, %dma_start3A_298, %dma_start3A_299] : memref<2x128x128xf32, #tpu.memory_space<vmem>> -> memref<1x128x128xf32, #tpu.memory_space<vmem>>
            %dma_start3A_301 = tpu.memref_squeeze %dma_start3A_300 : memref<1x128x128xf32, #tpu.memory_space<vmem>> -> memref<128x128xf32, #tpu.memory_space<vmem>>
            %dma_start3A_302 = arith.constant 0 : i32
            %dma_start3A_303 = tpu.memref_slice %arg4[%mul3A_297, %dma_start3A_302] : memref<5120x128xf32, #tpu.memory_space<hbm>> -> memref<128x128xf32, #tpu.memory_space<hbm>>
            %dma_start3A_304 = tpu.memref_slice %run_scoped3A_19[%rem3A_295] : memref<2x!tpu.dma_semaphore, #tpu.memory_space<semaphore_mem>> -> memref<1x!tpu.dma_semaphore, #tpu.memory_space<semaphore_mem>>
            %dma_start3A_305 = tpu.memref_squeeze %dma_start3A_304 : memref<1x!tpu.dma_semaphore, #tpu.memory_space<semaphore_mem>> -> memref<!tpu.dma_semaphore, #tpu.memory_space<semaphore_mem>>
            %dma_start3A_306 = arith.constant 0 : i32
            %dma_start3A_307 = tpu.memref_slice %arg4[%mul3A_297, %dma_start3A_306] : memref<5120x128xf32, #tpu.memory_space<hbm>> -> memref<128x128xf32, #tpu.memory_space<hbm>>
            %dma_start3A_308 = arith.constant 0 : i32
            %dma_start3A_309 = arith.constant 0 : i32
            %dma_start3A_310 = tpu.memref_slice %run_scoped3A_18[%rem3A_295, %dma_start3A_308, %dma_start3A_309] : memref<2x128x128xf32, #tpu.memory_space<vmem>> -> memref<1x128x128xf32, #tpu.memory_space<vmem>>
            %dma_start3A_311 = tpu.memref_squeeze %dma_start3A_310 : memref<1x128x128xf32, #tpu.memory_space<vmem>> -> memref<128x128xf32, #tpu.memory_space<vmem>>
            tpu.enqueue_dma source(%dma_start3A_311 : memref<128x128xf32, #tpu.memory_space<vmem>>) target(%dma_start3A_307 : memref<128x128xf32, #tpu.memory_space<hbm>>) target_semaphore(%dma_start3A_305 : memref<!tpu.dma_semaphore, #tpu.memory_space<semaphore_mem>>)
            "tpu.trace_stop"() : () -> ()
          } else {
          }
          %and3A_248 = arith.constant true
          %and3A_249 = arith.andi %or3A_244, %and3A_248 : i1
          %add3A_250 = arith.constant 1 : i32
          %add3A_251 = arith.addi %while3A_145, %add3A_250 : i32
          %select_n3A_252 = arith.select %and3A_249, %add3A_251, %while3A_145 : i32
          %ne3A_253 = arith.cmpi ne, %add3A_155, %add3A_165 : i32
          %or3A_254 = arith.constant false
          %or3A_255 = arith.ori %or3A_254, %ne3A_253 : i1
          %not3A_256 = arith.constant true
          %not3A_257 = arith.xori %eq3A_151, %not3A_256 : i1
          %and3A_258 = arith.andi %or3A_255, %not3A_257 : i1
          %convert_element_type3A_259 = arith.extui %and3A_258 : i1 to i32
          %cond3A_260 = arith.constant 0 : i32
          %cond3A_261 = arith.cmpi ne, %convert_element_type3A_259, %cond3A_260 : i32
          scf.if %cond3A_261 {
          } else {
          }
          %and3A_262 = arith.constant false
          %and3A_263 = arith.andi %and3A_258, %and3A_262 : i1
          %ne3A_264 = arith.cmpi ne, %add3A_155, %add3A_165 : i32
          %or3A_265 = arith.constant false
          %or3A_266 = arith.ori %or3A_265, %ne3A_264 : i1
          %or3A_267 = arith.constant false
          %or3A_268 = arith.ori %or3A_266, %or3A_267 : i1
          %not3A_269 = arith.constant true
          %not3A_270 = arith.xori %eq3A_151, %not3A_269 : i1
          %and3A_271 = arith.andi %or3A_268, %not3A_270 : i1
          %convert_element_type3A_272 = arith.extui %and3A_271 : i1 to i32
          %cond3A_273 = arith.constant 0 : i32
          %cond3A_274 = arith.cmpi ne, %convert_element_type3A_272, %cond3A_273 : i32
          scf.if %cond3A_274 {
            "tpu.trace_start"() <{level = 10 : i32, message = "ep_wait_out"}> : () -> ()
            %rem3A_294 = arith.constant 2 : i32
            %rem3A_295 = arith.remui %while3A_146, %rem3A_294 : i32
            %mul3A_296 = arith.constant 128 : i32
            %mul3A_297 = arith.muli %mul3A_296, %add3A_165 : i32
            %dma_wait3A = arith.constant 0 : i32
            %dma_wait3A_298 = arith.constant 0 : i32
            %dma_wait3A_299 = tpu.memref_slice %run_scoped3A_18[%rem3A_295, %dma_wait3A, %dma_wait3A_298] : memref<2x128x128xf32, #tpu.memory_space<vmem>> -> memref<1x128x128xf32, #tpu.memory_space<vmem>>
            %dma_wait3A_300 = tpu.memref_squeeze %dma_wait3A_299 : memref<1x128x128xf32, #tpu.memory_space<vmem>> -> memref<128x128xf32, #tpu.memory_space<vmem>>
            %dma_wait3A_301 = arith.constant 0 : i32
            %dma_wait3A_302 = tpu.memref_slice %arg4[%mul3A_297, %dma_wait3A_301] : memref<5120x128xf32, #tpu.memory_space<hbm>> -> memref<128x128xf32, #tpu.memory_space<hbm>>
            %dma_wait3A_303 = tpu.memref_slice %run_scoped3A_19[%rem3A_295] : memref<2x!tpu.dma_semaphore, #tpu.memory_space<semaphore_mem>> -> memref<1x!tpu.dma_semaphore, #tpu.memory_space<semaphore_mem>>
            %dma_wait3A_304 = tpu.memref_squeeze %dma_wait3A_303 : memref<1x!tpu.dma_semaphore, #tpu.memory_space<semaphore_mem>> -> memref<!tpu.dma_semaphore, #tpu.memory_space<semaphore_mem>>
            %dma_wait3A_305 = arith.constant 0 : i32
            %dma_wait3A_306 = tpu.memref_slice %arg4[%mul3A_297, %dma_wait3A_305] : memref<5120x128xf32, #tpu.memory_space<hbm>> -> memref<128x128xf32, #tpu.memory_space<hbm>>
            %dma_wait3A_307 = arith.constant 0 : i32
            %dma_wait3A_308 = arith.constant 0 : i32
            %dma_wait3A_309 = tpu.memref_slice %run_scoped3A_18[%rem3A_295, %dma_wait3A_307, %dma_wait3A_308] : memref<2x128x128xf32, #tpu.memory_space<vmem>> -> memref<1x128x128xf32, #tpu.memory_space<vmem>>
            %dma_wait3A_310 = tpu.memref_squeeze %dma_wait3A_309 : memref<1x128x128xf32, #tpu.memory_space<vmem>> -> memref<128x128xf32, #tpu.memory_space<vmem>>
            tpu.wait_dma2 semaphore(%dma_wait3A_304 : memref<!tpu.dma_semaphore, #tpu.memory_space<semaphore_mem>>) src(%dma_wait3A_310 : memref<128x128xf32, #tpu.memory_space<vmem>>) dst(%dma_wait3A_306 : memref<128x128xf32, #tpu.memory_space<hbm>>)
            "tpu.trace_stop"() : () -> ()
          } else {
          }
          %and3A_275 = arith.constant true
          %and3A_276 = arith.andi %and3A_271, %and3A_275 : i1
          %add3A_277 = arith.constant 1 : i32
          %add3A_278 = arith.addi %while3A_146, %add3A_277 : i32
          %select_n3A_279 = arith.select %and3A_276, %add3A_278, %while3A_146 : i32
          %ne3A_280 = arith.cmpi ne, %add3A_155, %add3A_173 : i32
          %or3A_281 = arith.constant false
          %or3A_282 = arith.ori %or3A_281, %ne3A_280 : i1
          %or3A_283 = arith.ori %or3A_282, %eq3A_154 : i1
          %add3A_284 = arith.constant 1 : i32
          %add3A_285 = arith.addi %while3A_144, %add3A_284 : i32
          %select_n3A_286 = arith.select %or3A_283, %add3A_285, %while3A_144 : i32
          %add3A_287 = arith.constant 1 : i32
          %add3A_288 = arith.addi %while3A_147, %add3A_287 : i32
          %select_n3A_289 = arith.constant true
          %select_n3A_290 = arith.select %select_n3A_289, %add3A_288, %while3A_147 : i32
          %eq3A_291 = arith.cmpi eq, %select_n3A_290, %select_n3A : i32
          %select_n3A_292 = arith.constant 0 : i32
          %select_n3A_293 = arith.select %eq3A_291, %select_n3A_292, %select_n3A_290 : i32
          scf.yield %select_n3A_195, %select_n3A_286, %select_n3A_252, %select_n3A_279, %select_n3A_293 : i32, i32, i32, i32, i32
        }
        %sub3A_91 = arith.constant 1 : i32
        %sub3A_92 = arith.subi %while3A_90#4, %sub3A_91 : i32
        %select_n3A_93 = arith.constant true
        %select_n3A_94 = arith.select %select_n3A_93, %sub3A_92, %while3A_90#4 : i32
        %eq3A_95 = arith.constant -1 : i32
        %eq3A_96 = arith.cmpi eq, %select_n3A_94, %eq3A_95 : i32
        %sub3A_97 = arith.constant 1 : i32
        %sub3A_98 = arith.subi %select_n3A, %sub3A_97 : i32
        %select_n3A_99 = arith.select %eq3A_96, %sub3A_98, %select_n3A_94 : i32
        %sub3A_100 = arith.constant 1 : i32
        %sub3A_101 = arith.subi %mul3A_16, %sub3A_100 : i32
        %mul3A_102 = arith.constant 1 : i32
        %mul3A_103 = arith.muli %mul3A_102, %select_n3A : i32
        %eq3A_104 = arith.constant 0 : i32
        %eq3A_105 = arith.cmpi eq, %sub3A_101, %eq3A_104 : i32
        %sub3A_106 = arith.constant 1 : i32
        %sub3A_107 = arith.subi %mul3A_103, %sub3A_106 : i32
        %eq3A_108 = arith.cmpi eq, %sub3A_101, %sub3A_107 : i32
        %add3A_109 = arith.addi %select_n3A_99, %select_n3A_14 : i32
        %sub3A_110 = arith.constant 1 : i32
        %sub3A_111 = arith.subi %select_n3A_99, %sub3A_110 : i32
        %select_n3A_112 = arith.constant true
        %select_n3A_113 = arith.select %select_n3A_112, %sub3A_111, %select_n3A_99 : i32
        %eq3A_114 = arith.constant -1 : i32
        %eq3A_115 = arith.cmpi eq, %select_n3A_113, %eq3A_114 : i32
        %sub3A_116 = arith.constant 1 : i32
        %sub3A_117 = arith.subi %select_n3A, %sub3A_116 : i32
        %select_n3A_118 = arith.select %eq3A_115, %sub3A_117, %select_n3A_113 : i32
        %add3A_119 = arith.addi %select_n3A_118, %select_n3A_14 : i32
        %add3A_120 = arith.constant 1 : i32
        %add3A_121 = arith.addi %select_n3A_99, %add3A_120 : i32
        %select_n3A_122 = arith.constant true
        %select_n3A_123 = arith.select %select_n3A_122, %add3A_121, %select_n3A_99 : i32
        %eq3A_124 = arith.cmpi eq, %select_n3A_123, %select_n3A : i32
        %select_n3A_125 = arith.constant 0 : i32
        %select_n3A_126 = arith.select %eq3A_124, %select_n3A_125, %select_n3A_123 : i32
        %add3A_127 = arith.addi %select_n3A_126, %select_n3A_14 : i32
        %add3A_128 = arith.constant 1 : i32
        %add3A_129 = arith.addi %select_n3A_126, %add3A_128 : i32
        %select_n3A_130 = arith.constant true
        %select_n3A_131 = arith.select %select_n3A_130, %add3A_129, %select_n3A_126 : i32
        %eq3A_132 = arith.cmpi eq, %select_n3A_131, %select_n3A : i32
        %select_n3A_133 = arith.constant 0 : i32
        %select_n3A_134 = arith.select %eq3A_132, %select_n3A_133, %select_n3A_131 : i32
        %add3A_135 = arith.addi %select_n3A_134, %select_n3A_14 : i32
        %convert_element_type3A_136 = arith.extui %eq3A_108 : i1 to i32
        %cond3A_137 = arith.constant 0 : i32
        %cond3A_138 = arith.cmpi ne, %convert_element_type3A_136, %cond3A_137 : i32
        scf.if %cond3A_138 {
        } else {
        }
        %convert_element_type3A_139 = arith.extui %eq3A_108 : i1 to i32
        %cond3A_140 = arith.constant 0 : i32
        %cond3A_141 = arith.cmpi ne, %convert_element_type3A_139, %cond3A_140 : i32
        scf.if %cond3A_141 {
          "tpu.trace_start"() <{level = 10 : i32, message = "ep_finalize"}> : () -> ()
          %rem3A_142 = arith.constant 2 : i32
          %rem3A_143 = arith.remui %while3A_90#3, %rem3A_142 : i32
          %mul3A_144 = arith.constant 128 : i32
          %mul3A_145 = arith.muli %mul3A_144, %add3A_109 : i32
          %dma_wait3A = arith.constant 0 : i32
          %dma_wait3A_146 = arith.constant 0 : i32
          %dma_wait3A_147 = tpu.memref_slice %run_scoped3A_18[%rem3A_143, %dma_wait3A, %dma_wait3A_146] : memref<2x128x128xf32, #tpu.memory_space<vmem>> -> memref<1x128x128xf32, #tpu.memory_space<vmem>>
          %dma_wait3A_148 = tpu.memref_squeeze %dma_wait3A_147 : memref<1x128x128xf32, #tpu.memory_space<vmem>> -> memref<128x128xf32, #tpu.memory_space<vmem>>
          %dma_wait3A_149 = arith.constant 0 : i32
          %dma_wait3A_150 = tpu.memref_slice %arg4[%mul3A_145, %dma_wait3A_149] : memref<5120x128xf32, #tpu.memory_space<hbm>> -> memref<128x128xf32, #tpu.memory_space<hbm>>
          %dma_wait3A_151 = tpu.memref_slice %run_scoped3A_19[%rem3A_143] : memref<2x!tpu.dma_semaphore, #tpu.memory_space<semaphore_mem>> -> memref<1x!tpu.dma_semaphore, #tpu.memory_space<semaphore_mem>>
          %dma_wait3A_152 = tpu.memref_squeeze %dma_wait3A_151 : memref<1x!tpu.dma_semaphore, #tpu.memory_space<semaphore_mem>> -> memref<!tpu.dma_semaphore, #tpu.memory_space<semaphore_mem>>
          %dma_wait3A_153 = arith.constant 0 : i32
          %dma_wait3A_154 = tpu.memref_slice %arg4[%mul3A_145, %dma_wait3A_153] : memref<5120x128xf32, #tpu.memory_space<hbm>> -> memref<128x128xf32, #tpu.memory_space<hbm>>
          %dma_wait3A_155 = arith.constant 0 : i32
          %dma_wait3A_156 = arith.constant 0 : i32
          %dma_wait3A_157 = tpu.memref_slice %run_scoped3A_18[%rem3A_143, %dma_wait3A_155, %dma_wait3A_156] : memref<2x128x128xf32, #tpu.memory_space<vmem>> -> memref<1x128x128xf32, #tpu.memory_space<vmem>>
          %dma_wait3A_158 = tpu.memref_squeeze %dma_wait3A_157 : memref<1x128x128xf32, #tpu.memory_space<vmem>> -> memref<128x128xf32, #tpu.memory_space<vmem>>
          tpu.wait_dma2 semaphore(%dma_wait3A_152 : memref<!tpu.dma_semaphore, #tpu.memory_space<semaphore_mem>>) src(%dma_wait3A_158 : memref<128x128xf32, #tpu.memory_space<vmem>>) dst(%dma_wait3A_154 : memref<128x128xf32, #tpu.memory_space<hbm>>)
          "tpu.trace_stop"() : () -> ()
        } else {
        }
      } else {
      }
      tpu.yield
    }) : () -> ()
    return
  }
}

module attributes {stable_mosaic.version = 14 : i64} {
  func.func @_topk_body(%arg0: i32, %arg1: memref<1024x128xf32, #tpu.memory_space<vmem>>, %arg2: memref<1024x1xi32, #tpu.memory_space<vmem>>, %arg3: memref<2048x128xf32, #tpu.memory_space<vmem>>, %arg4: memref<1024x8xi32, #tpu.memory_space<vmem>>, %arg5: memref<1024x128xf32, #tpu.memory_space<vmem>>, %arg6: memref<1024x128xf32, #tpu.memory_space<vmem>>, %arg7: memref<1024x128xf32, #tpu.memory_space<vmem>>, %arg8: memref<1024x128xf32, #tpu.memory_space<vmem>>, %arg9: memref<1024x128xf32, #tpu.memory_space<vmem>>, %arg10: memref<1024x128xf32, #tpu.memory_space<vmem>>, %arg11: memref<1024x128xf32, #tpu.memory_space<vmem>>) attributes {dimension_semantics = [#tpu.dimension_semantics<arbitrary>], iteration_bounds = array<i64: 49>, scalar_prefetch = 0 : i64, scratch_operands = 7 : i64, tpu.core_type = #tpu.core_type<tc>, window_params = [{pipeline_mode = #tpu.pipeline_mode<synchronous>, transform_indices = @transform_0, window_bounds = array<i64: 1024, 128>}, {pipeline_mode = #tpu.pipeline_mode<synchronous>, transform_indices = @transform_1, window_bounds = array<i64: 1024, 1>}, {transform_indices = @transform_2, window_bounds = array<i64: 2048, 128>}, {pipeline_mode = #tpu.pipeline_mode<synchronous>, transform_indices = @transform_3, window_bounds = array<i64: 1024, 8>}]} {
    %eq3A = arith.constant 0 : i32
    %eq3A_0 = arith.cmpi eq, %arg0, %eq3A : i32
    %convert_element_type3A = arith.extui %eq3A_0 : i1 to i32
    %cond3A = arith.constant 0 : i32
    %cond3A_1 = arith.cmpi ne, %convert_element_type3A, %cond3A : i32
    scf.if %cond3A_1 {
      %get3A_509 = arith.constant 0 : index
      %get3A_510 = arith.constant 0 : index
      %get3A_511 = vector.load %arg1[%get3A_509, %get3A_510] : memref<1024x128xf32, #tpu.memory_space<vmem>>, vector<1024x128xf32>
      %mul3A_512 = arith.mulf %get3A_511, %get3A_511 : vector<1024x128xf32>
      %reduce_sum3A = arith.constant dense<0.000000e+00> : vector<1024xf32>
      %reduce_sum3A_513 = vector.multi_reduction <add>, %mul3A_512, %reduce_sum3A [1] : vector<1024x128xf32> to vector<1024xf32>
      %broadcast_in_dim3A_514 = vector.shape_cast %reduce_sum3A_513 : vector<1024xf32> to vector<1024x1xf32>
      %sqrt3A = math.sqrt %broadcast_in_dim3A_514 : vector<1024x1xf32>
      %max3A_515 = arith.constant 9.99999996E-13 : f32
      %max3A_516 = vector.broadcast %max3A_515 : f32 to vector<1024x1xf32>
      %max3A_517 = arith.maximumf %sqrt3A, %max3A_516 : vector<1024x1xf32>
      %div3A = vector.broadcast %max3A_517 : vector<1024x1xf32> to vector<1024x128xf32>
      %div3A_518 = arith.divf %get3A_511, %div3A : vector<1024x128xf32>
      %swap3A_519 = arith.constant 0 : index
      %swap3A_520 = arith.constant 0 : index
      %swap3A_521 = vector.load %arg5[%swap3A_519, %swap3A_520] : memref<1024x128xf32, #tpu.memory_space<vmem>>, vector<1024x128xf32>
      tpu.vector_store %arg5[%swap3A_519, %swap3A_520], %div3A_518 {strides = array<i32>} : memref<1024x128xf32, #tpu.memory_space<vmem>>, vector<1024x128xf32>,
      %broadcast_in_dim3A_522 = arith.constant 0.000000e+00 : f32
      %broadcast_in_dim3A_523 = vector.broadcast %broadcast_in_dim3A_522 : f32 to vector<1024x128xf32>
      %swap3A_524 = arith.constant 0 : index
      %swap3A_525 = arith.constant 0 : index
      %swap3A_526 = vector.load %arg6[%swap3A_524, %swap3A_525] : memref<1024x128xf32, #tpu.memory_space<vmem>>, vector<1024x128xf32>
      tpu.vector_store %arg6[%swap3A_524, %swap3A_525], %broadcast_in_dim3A_523 {strides = array<i32>} : memref<1024x128xf32, #tpu.memory_space<vmem>>, vector<1024x128xf32>,
      %broadcast_in_dim3A_527 = arith.constant 0.000000e+00 : f32
      %broadcast_in_dim3A_528 = vector.broadcast %broadcast_in_dim3A_527 : f32 to vector<1024x128xf32>
      %swap3A_529 = arith.constant 0 : index
      %swap3A_530 = arith.constant 0 : index
      %swap3A_531 = vector.load %arg7[%swap3A_529, %swap3A_530] : memref<1024x128xf32, #tpu.memory_space<vmem>>, vector<1024x128xf32>
      tpu.vector_store %arg7[%swap3A_529, %swap3A_530], %broadcast_in_dim3A_528 {strides = array<i32>} : memref<1024x128xf32, #tpu.memory_space<vmem>>, vector<1024x128xf32>,
      %broadcast_in_dim3A_532 = arith.constant 0.000000e+00 : f32
      %broadcast_in_dim3A_533 = vector.broadcast %broadcast_in_dim3A_532 : f32 to vector<1024x128xf32>
      %swap3A_534 = arith.constant 0 : index
      %swap3A_535 = arith.constant 0 : index
      %swap3A_536 = vector.load %arg8[%swap3A_534, %swap3A_535] : memref<1024x128xf32, #tpu.memory_space<vmem>>, vector<1024x128xf32>
      tpu.vector_store %arg8[%swap3A_534, %swap3A_535], %broadcast_in_dim3A_533 {strides = array<i32>} : memref<1024x128xf32, #tpu.memory_space<vmem>>, vector<1024x128xf32>,
      %broadcast_in_dim3A_537 = arith.constant 0.000000e+00 : f32
      %broadcast_in_dim3A_538 = vector.broadcast %broadcast_in_dim3A_537 : f32 to vector<1024x128xf32>
      %swap3A_539 = arith.constant 0 : index
      %swap3A_540 = arith.constant 0 : index
      %swap3A_541 = vector.load %arg9[%swap3A_539, %swap3A_540] : memref<1024x128xf32, #tpu.memory_space<vmem>>, vector<1024x128xf32>
      tpu.vector_store %arg9[%swap3A_539, %swap3A_540], %broadcast_in_dim3A_538 {strides = array<i32>} : memref<1024x128xf32, #tpu.memory_space<vmem>>, vector<1024x128xf32>,
      %broadcast_in_dim3A_542 = arith.constant 0.000000e+00 : f32
      %broadcast_in_dim3A_543 = vector.broadcast %broadcast_in_dim3A_542 : f32 to vector<1024x128xf32>
      %swap3A_544 = arith.constant 0 : index
      %swap3A_545 = arith.constant 0 : index
      %swap3A_546 = vector.load %arg10[%swap3A_544, %swap3A_545] : memref<1024x128xf32, #tpu.memory_space<vmem>>, vector<1024x128xf32>
      tpu.vector_store %arg10[%swap3A_544, %swap3A_545], %broadcast_in_dim3A_543 {strides = array<i32>} : memref<1024x128xf32, #tpu.memory_space<vmem>>, vector<1024x128xf32>,
      %broadcast_in_dim3A_547 = arith.constant 0.000000e+00 : f32
      %broadcast_in_dim3A_548 = vector.broadcast %broadcast_in_dim3A_547 : f32 to vector<1024x128xf32>
      %swap3A_549 = arith.constant 0 : index
      %swap3A_550 = arith.constant 0 : index
      %swap3A_551 = vector.load %arg11[%swap3A_549, %swap3A_550] : memref<1024x128xf32, #tpu.memory_space<vmem>>, vector<1024x128xf32>
      tpu.vector_store %arg11[%swap3A_549, %swap3A_550], %broadcast_in_dim3A_548 {strides = array<i32>} : memref<1024x128xf32, #tpu.memory_space<vmem>>, vector<1024x128xf32>,
    } else {
    }
    %get3A = arith.constant 0 : index
    %get3A_2 = arith.constant 0 : index
    %get3A_3 = vector.load %arg5[%get3A, %get3A_2] : memref<1024x128xf32, #tpu.memory_space<vmem>>, vector<1024x128xf32>
    %get3A_4 = arith.constant 0 : index
    %get3A_5 = arith.constant 0 : index
    %get3A_6 = vector.load %arg3[%get3A_4, %get3A_5] : memref<2048x128xf32, #tpu.memory_space<vmem>>, vector<2048x128xf32>
    %dot_general3A = arith.constant dense<0.000000e+00> : vector<1024x2048xf32>
    %dot_general3A_7 = tpu.matmul %get3A_3, %get3A_6, %dot_general3A {dimension_numbers = #tpu.dot_dimension_numbers<[1], [1], [0], [0], [0, 0, 1, 0], [], []>, transpose_lhs_hint = false} : vector<1024x128xf32>, vector<2048x128xf32>, vector<1024x2048xf32> -> vector<1024x2048xf32>
    %eq3A_8 = arith.constant 48 : i32
    %eq3A_9 = arith.cmpi eq, %arg0, %eq3A_8 : i32
    %jit3A = arith.constant 1696 : i32
    %jit3A_10 = arith.constant 2048 : i32
    %select_n3A = arith.select %eq3A_9, %jit3A, %jit3A_10 : i32
    %iota3A = tpu.iota {dimensions = array<i32: 1>} : vector<1024x128xi32>
    %get3A_11 = arith.constant 0 : index
    %get3A_12 = arith.constant 0 : index
    %get3A_13 = vector.load %arg6[%get3A_11, %get3A_12] : memref<1024x128xf32, #tpu.memory_space<vmem>>, vector<1024x128xf32>
    %get3A_14 = arith.constant 0 : index
    %get3A_15 = arith.constant 0 : index
    %get3A_16 = vector.load %arg7[%get3A_14, %get3A_15] : memref<1024x128xf32, #tpu.memory_space<vmem>>, vector<1024x128xf32>
    %get3A_17 = arith.constant 0 : index
    %get3A_18 = arith.constant 0 : index
    %get3A_19 = vector.load %arg8[%get3A_17, %get3A_18] : memref<1024x128xf32, #tpu.memory_space<vmem>>, vector<1024x128xf32>
    %get3A_20 = arith.constant 0 : index
    %get3A_21 = arith.constant 0 : index
    %get3A_22 = vector.load %arg9[%get3A_20, %get3A_21] : memref<1024x128xf32, #tpu.memory_space<vmem>>, vector<1024x128xf32>
    %get3A_23 = arith.constant 0 : index
    %get3A_24 = arith.constant 0 : index
    %get3A_25 = vector.load %arg10[%get3A_23, %get3A_24] : memref<1024x128xf32, #tpu.memory_space<vmem>>, vector<1024x128xf32>
    %get3A_26 = arith.constant 0 : index
    %get3A_27 = arith.constant 0 : index
    %get3A_28 = vector.load %arg11[%get3A_26, %get3A_27] : memref<1024x128xf32, #tpu.memory_space<vmem>>, vector<1024x128xf32>
    %slice3A = vector.extract_strided_slice %dot_general3A_7 {offsets = [0, 0], sizes = [1024, 128], strides = [1, 1]} : vector<1024x2048xf32> to vector<1024x128xf32>
    %add3A = arith.constant 4.000000e+00 : f32
    %add3A_29 = vector.broadcast %add3A : f32 to vector<1024x128xf32>
    %add3A_30 = arith.addf %slice3A, %add3A_29 : vector<1024x128xf32>
    %bitcast_convert_type3A = tpu.bitcast %add3A_30 : vector<1024x128xf32> -> vector<1024x128xi32>
    %and3A = arith.constant -1024 : i32
    %and3A_31 = vector.broadcast %and3A : i32 to vector<1024x128xi32>
    %and3A_32 = arith.andi %bitcast_convert_type3A, %and3A_31 : vector<1024x128xi32>
    %mul3A = arith.constant 16 : i32
    %mul3A_33 = arith.muli %arg0, %mul3A : i32
    %add3A_34 = arith.constant 0 : i32
    %add3A_35 = arith.addi %mul3A_33, %add3A_34 : i32
    %sub3A = arith.constant 1023 : i32
    %sub3A_36 = arith.subi %sub3A, %add3A_35 : i32
    %or3A = vector.broadcast %sub3A_36 : i32 to vector<1024x128xi32>
    %or3A_37 = arith.ori %and3A_32, %or3A : vector<1024x128xi32>
    %bitcast_convert_type3A_38 = tpu.bitcast %or3A_37 : vector<1024x128xi32> -> vector<1024x128xf32>
    %max3A = arith.maximumf %get3A_13, %bitcast_convert_type3A_38 : vector<1024x128xf32>
    %min3A = arith.minimumf %get3A_13, %bitcast_convert_type3A_38 : vector<1024x128xf32>
    %max3A_39 = arith.maximumf %get3A_16, %min3A : vector<1024x128xf32>
    %min3A_40 = arith.minimumf %get3A_16, %min3A : vector<1024x128xf32>
    %max3A_41 = arith.maximumf %get3A_19, %min3A_40 : vector<1024x128xf32>
    %min3A_42 = arith.minimumf %get3A_19, %min3A_40 : vector<1024x128xf32>
    %max3A_43 = arith.maximumf %get3A_22, %min3A_42 : vector<1024x128xf32>
    %min3A_44 = arith.minimumf %get3A_22, %min3A_42 : vector<1024x128xf32>
    %max3A_45 = arith.maximumf %get3A_25, %min3A_44 : vector<1024x128xf32>
    %min3A_46 = arith.minimumf %get3A_25, %min3A_44 : vector<1024x128xf32>
    %max3A_47 = arith.maximumf %get3A_28, %min3A_46 : vector<1024x128xf32>
    %slice3A_48 = vector.extract_strided_slice %dot_general3A_7 {offsets = [0, 128], sizes = [1024, 128], strides = [1, 1]} : vector<1024x2048xf32> to vector<1024x128xf32>
    %add3A_49 = arith.constant 4.000000e+00 : f32
    %add3A_50 = vector.broadcast %add3A_49 : f32 to vector<1024x128xf32>
    %add3A_51 = arith.addf %slice3A_48, %add3A_50 : vector<1024x128xf32>
    %bitcast_convert_type3A_52 = tpu.bitcast %add3A_51 : vector<1024x128xf32> -> vector<1024x128xi32>
    %and3A_53 = arith.constant -1024 : i32
    %and3A_54 = vector.broadcast %and3A_53 : i32 to vector<1024x128xi32>
    %and3A_55 = arith.andi %bitcast_convert_type3A_52, %and3A_54 : vector<1024x128xi32>
    %mul3A_56 = arith.constant 16 : i32
    %mul3A_57 = arith.muli %arg0, %mul3A_56 : i32
    %add3A_58 = arith.constant 1 : i32
    %add3A_59 = arith.addi %mul3A_57, %add3A_58 : i32
    %sub3A_60 = arith.constant 1023 : i32
    %sub3A_61 = arith.subi %sub3A_60, %add3A_59 : i32
    %or3A_62 = vector.broadcast %sub3A_61 : i32 to vector<1024x128xi32>
    %or3A_63 = arith.ori %and3A_55, %or3A_62 : vector<1024x128xi32>
    %bitcast_convert_type3A_64 = tpu.bitcast %or3A_63 : vector<1024x128xi32> -> vector<1024x128xf32>
    %max3A_65 = arith.maximumf %max3A, %bitcast_convert_type3A_64 : vector<1024x128xf32>
    %min3A_66 = arith.minimumf %max3A, %bitcast_convert_type3A_64 : vector<1024x128xf32>
    %max3A_67 = arith.maximumf %max3A_39, %min3A_66 : vector<1024x128xf32>
    %min3A_68 = arith.minimumf %max3A_39, %min3A_66 : vector<1024x128xf32>
    %max3A_69 = arith.maximumf %max3A_41, %min3A_68 : vector<1024x128xf32>
    %min3A_70 = arith.minimumf %max3A_41, %min3A_68 : vector<1024x128xf32>
    %max3A_71 = arith.maximumf %max3A_43, %min3A_70 : vector<1024x128xf32>
    %min3A_72 = arith.minimumf %max3A_43, %min3A_70 : vector<1024x128xf32>
    %max3A_73 = arith.maximumf %max3A_45, %min3A_72 : vector<1024x128xf32>
    %min3A_74 = arith.minimumf %max3A_45, %min3A_72 : vector<1024x128xf32>
    %max3A_75 = arith.maximumf %max3A_47, %min3A_74 : vector<1024x128xf32>
    %slice3A_76 = vector.extract_strided_slice %dot_general3A_7 {offsets = [0, 256], sizes = [1024, 128], strides = [1, 1]} : vector<1024x2048xf32> to vector<1024x128xf32>
    %add3A_77 = arith.constant 4.000000e+00 : f32
    %add3A_78 = vector.broadcast %add3A_77 : f32 to vector<1024x128xf32>
    %add3A_79 = arith.addf %slice3A_76, %add3A_78 : vector<1024x128xf32>
    %bitcast_convert_type3A_80 = tpu.bitcast %add3A_79 : vector<1024x128xf32> -> vector<1024x128xi32>
    %and3A_81 = arith.constant -1024 : i32
    %and3A_82 = vector.broadcast %and3A_81 : i32 to vector<1024x128xi32>
    %and3A_83 = arith.andi %bitcast_convert_type3A_80, %and3A_82 : vector<1024x128xi32>
    %mul3A_84 = arith.constant 16 : i32
    %mul3A_85 = arith.muli %arg0, %mul3A_84 : i32
    %add3A_86 = arith.constant 2 : i32
    %add3A_87 = arith.addi %mul3A_85, %add3A_86 : i32
    %sub3A_88 = arith.constant 1023 : i32
    %sub3A_89 = arith.subi %sub3A_88, %add3A_87 : i32
    %or3A_90 = vector.broadcast %sub3A_89 : i32 to vector<1024x128xi32>
    %or3A_91 = arith.ori %and3A_83, %or3A_90 : vector<1024x128xi32>
    %bitcast_convert_type3A_92 = tpu.bitcast %or3A_91 : vector<1024x128xi32> -> vector<1024x128xf32>
    %max3A_93 = arith.maximumf %max3A_65, %bitcast_convert_type3A_92 : vector<1024x128xf32>
    %min3A_94 = arith.minimumf %max3A_65, %bitcast_convert_type3A_92 : vector<1024x128xf32>
    %max3A_95 = arith.maximumf %max3A_67, %min3A_94 : vector<1024x128xf32>
    %min3A_96 = arith.minimumf %max3A_67, %min3A_94 : vector<1024x128xf32>
    %max3A_97 = arith.maximumf %max3A_69, %min3A_96 : vector<1024x128xf32>
    %min3A_98 = arith.minimumf %max3A_69, %min3A_96 : vector<1024x128xf32>
    %max3A_99 = arith.maximumf %max3A_71, %min3A_98 : vector<1024x128xf32>
    %min3A_100 = arith.minimumf %max3A_71, %min3A_98 : vector<1024x128xf32>
    %max3A_101 = arith.maximumf %max3A_73, %min3A_100 : vector<1024x128xf32>
    %min3A_102 = arith.minimumf %max3A_73, %min3A_100 : vector<1024x128xf32>
    %max3A_103 = arith.maximumf %max3A_75, %min3A_102 : vector<1024x128xf32>
    %slice3A_104 = vector.extract_strided_slice %dot_general3A_7 {offsets = [0, 384], sizes = [1024, 128], strides = [1, 1]} : vector<1024x2048xf32> to vector<1024x128xf32>
    %add3A_105 = arith.constant 4.000000e+00 : f32
    %add3A_106 = vector.broadcast %add3A_105 : f32 to vector<1024x128xf32>
    %add3A_107 = arith.addf %slice3A_104, %add3A_106 : vector<1024x128xf32>
    %bitcast_convert_type3A_108 = tpu.bitcast %add3A_107 : vector<1024x128xf32> -> vector<1024x128xi32>
    %and3A_109 = arith.constant -1024 : i32
    %and3A_110 = vector.broadcast %and3A_109 : i32 to vector<1024x128xi32>
    %and3A_111 = arith.andi %bitcast_convert_type3A_108, %and3A_110 : vector<1024x128xi32>
    %mul3A_112 = arith.constant 16 : i32
    %mul3A_113 = arith.muli %arg0, %mul3A_112 : i32
    %add3A_114 = arith.constant 3 : i32
    %add3A_115 = arith.addi %mul3A_113, %add3A_114 : i32
    %sub3A_116 = arith.constant 1023 : i32
    %sub3A_117 = arith.subi %sub3A_116, %add3A_115 : i32
    %or3A_118 = vector.broadcast %sub3A_117 : i32 to vector<1024x128xi32>
    %or3A_119 = arith.ori %and3A_111, %or3A_118 : vector<1024x128xi32>
    %bitcast_convert_type3A_120 = tpu.bitcast %or3A_119 : vector<1024x128xi32> -> vector<1024x128xf32>
    %max3A_121 = arith.maximumf %max3A_93, %bitcast_convert_type3A_120 : vector<1024x128xf32>
    %min3A_122 = arith.minimumf %max3A_93, %bitcast_convert_type3A_120 : vector<1024x128xf32>
    %max3A_123 = arith.maximumf %max3A_95, %min3A_122 : vector<1024x128xf32>
    %min3A_124 = arith.minimumf %max3A_95, %min3A_122 : vector<1024x128xf32>
    %max3A_125 = arith.maximumf %max3A_97, %min3A_124 : vector<1024x128xf32>
    %min3A_126 = arith.minimumf %max3A_97, %min3A_124 : vector<1024x128xf32>
    %max3A_127 = arith.maximumf %max3A_99, %min3A_126 : vector<1024x128xf32>
    %min3A_128 = arith.minimumf %max3A_99, %min3A_126 : vector<1024x128xf32>
    %max3A_129 = arith.maximumf %max3A_101, %min3A_128 : vector<1024x128xf32>
    %min3A_130 = arith.minimumf %max3A_101, %min3A_128 : vector<1024x128xf32>
    %max3A_131 = arith.maximumf %max3A_103, %min3A_130 : vector<1024x128xf32>
    %slice3A_132 = vector.extract_strided_slice %dot_general3A_7 {offsets = [0, 512], sizes = [1024, 128], strides = [1, 1]} : vector<1024x2048xf32> to vector<1024x128xf32>
    %add3A_133 = arith.constant 4.000000e+00 : f32
    %add3A_134 = vector.broadcast %add3A_133 : f32 to vector<1024x128xf32>
    %add3A_135 = arith.addf %slice3A_132, %add3A_134 : vector<1024x128xf32>
    %bitcast_convert_type3A_136 = tpu.bitcast %add3A_135 : vector<1024x128xf32> -> vector<1024x128xi32>
    %and3A_137 = arith.constant -1024 : i32
    %and3A_138 = vector.broadcast %and3A_137 : i32 to vector<1024x128xi32>
    %and3A_139 = arith.andi %bitcast_convert_type3A_136, %and3A_138 : vector<1024x128xi32>
    %mul3A_140 = arith.constant 16 : i32
    %mul3A_141 = arith.muli %arg0, %mul3A_140 : i32
    %add3A_142 = arith.constant 4 : i32
    %add3A_143 = arith.addi %mul3A_141, %add3A_142 : i32
    %sub3A_144 = arith.constant 1023 : i32
    %sub3A_145 = arith.subi %sub3A_144, %add3A_143 : i32
    %or3A_146 = vector.broadcast %sub3A_145 : i32 to vector<1024x128xi32>
    %or3A_147 = arith.ori %and3A_139, %or3A_146 : vector<1024x128xi32>
    %bitcast_convert_type3A_148 = tpu.bitcast %or3A_147 : vector<1024x128xi32> -> vector<1024x128xf32>
    %max3A_149 = arith.maximumf %max3A_121, %bitcast_convert_type3A_148 : vector<1024x128xf32>
    %min3A_150 = arith.minimumf %max3A_121, %bitcast_convert_type3A_148 : vector<1024x128xf32>
    %max3A_151 = arith.maximumf %max3A_123, %min3A_150 : vector<1024x128xf32>
    %min3A_152 = arith.minimumf %max3A_123, %min3A_150 : vector<1024x128xf32>
    %max3A_153 = arith.maximumf %max3A_125, %min3A_152 : vector<1024x128xf32>
    %min3A_154 = arith.minimumf %max3A_125, %min3A_152 : vector<1024x128xf32>
    %max3A_155 = arith.maximumf %max3A_127, %min3A_154 : vector<1024x128xf32>
    %min3A_156 = arith.minimumf %max3A_127, %min3A_154 : vector<1024x128xf32>
    %max3A_157 = arith.maximumf %max3A_129, %min3A_156 : vector<1024x128xf32>
    %min3A_158 = arith.minimumf %max3A_129, %min3A_156 : vector<1024x128xf32>
    %max3A_159 = arith.maximumf %max3A_131, %min3A_158 : vector<1024x128xf32>
    %slice3A_160 = vector.extract_strided_slice %dot_general3A_7 {offsets = [0, 640], sizes = [1024, 128], strides = [1, 1]} : vector<1024x2048xf32> to vector<1024x128xf32>
    %add3A_161 = arith.constant 4.000000e+00 : f32
    %add3A_162 = vector.broadcast %add3A_161 : f32 to vector<1024x128xf32>
    %add3A_163 = arith.addf %slice3A_160, %add3A_162 : vector<1024x128xf32>
    %bitcast_convert_type3A_164 = tpu.bitcast %add3A_163 : vector<1024x128xf32> -> vector<1024x128xi32>
    %and3A_165 = arith.constant -1024 : i32
    %and3A_166 = vector.broadcast %and3A_165 : i32 to vector<1024x128xi32>
    %and3A_167 = arith.andi %bitcast_convert_type3A_164, %and3A_166 : vector<1024x128xi32>
    %mul3A_168 = arith.constant 16 : i32
    %mul3A_169 = arith.muli %arg0, %mul3A_168 : i32
    %add3A_170 = arith.constant 5 : i32
    %add3A_171 = arith.addi %mul3A_169, %add3A_170 : i32
    %sub3A_172 = arith.constant 1023 : i32
    %sub3A_173 = arith.subi %sub3A_172, %add3A_171 : i32
    %or3A_174 = vector.broadcast %sub3A_173 : i32 to vector<1024x128xi32>
    %or3A_175 = arith.ori %and3A_167, %or3A_174 : vector<1024x128xi32>
    %bitcast_convert_type3A_176 = tpu.bitcast %or3A_175 : vector<1024x128xi32> -> vector<1024x128xf32>
    %max3A_177 = arith.maximumf %max3A_149, %bitcast_convert_type3A_176 : vector<1024x128xf32>
    %min3A_178 = arith.minimumf %max3A_149, %bitcast_convert_type3A_176 : vector<1024x128xf32>
    %max3A_179 = arith.maximumf %max3A_151, %min3A_178 : vector<1024x128xf32>
    %min3A_180 = arith.minimumf %max3A_151, %min3A_178 : vector<1024x128xf32>
    %max3A_181 = arith.maximumf %max3A_153, %min3A_180 : vector<1024x128xf32>
    %min3A_182 = arith.minimumf %max3A_153, %min3A_180 : vector<1024x128xf32>
    %max3A_183 = arith.maximumf %max3A_155, %min3A_182 : vector<1024x128xf32>
    %min3A_184 = arith.minimumf %max3A_155, %min3A_182 : vector<1024x128xf32>
    %max3A_185 = arith.maximumf %max3A_157, %min3A_184 : vector<1024x128xf32>
    %min3A_186 = arith.minimumf %max3A_157, %min3A_184 : vector<1024x128xf32>
    %max3A_187 = arith.maximumf %max3A_159, %min3A_186 : vector<1024x128xf32>
    %slice3A_188 = vector.extract_strided_slice %dot_general3A_7 {offsets = [0, 768], sizes = [1024, 128], strides = [1, 1]} : vector<1024x2048xf32> to vector<1024x128xf32>
    %add3A_189 = arith.constant 4.000000e+00 : f32
    %add3A_190 = vector.broadcast %add3A_189 : f32 to vector<1024x128xf32>
    %add3A_191 = arith.addf %slice3A_188, %add3A_190 : vector<1024x128xf32>
    %bitcast_convert_type3A_192 = tpu.bitcast %add3A_191 : vector<1024x128xf32> -> vector<1024x128xi32>
    %and3A_193 = arith.constant -1024 : i32
    %and3A_194 = vector.broadcast %and3A_193 : i32 to vector<1024x128xi32>
    %and3A_195 = arith.andi %bitcast_convert_type3A_192, %and3A_194 : vector<1024x128xi32>
    %mul3A_196 = arith.constant 16 : i32
    %mul3A_197 = arith.muli %arg0, %mul3A_196 : i32
    %add3A_198 = arith.constant 6 : i32
    %add3A_199 = arith.addi %mul3A_197, %add3A_198 : i32
    %sub3A_200 = arith.constant 1023 : i32
    %sub3A_201 = arith.subi %sub3A_200, %add3A_199 : i32
    %or3A_202 = vector.broadcast %sub3A_201 : i32 to vector<1024x128xi32>
    %or3A_203 = arith.ori %and3A_195, %or3A_202 : vector<1024x128xi32>
    %bitcast_convert_type3A_204 = tpu.bitcast %or3A_203 : vector<1024x128xi32> -> vector<1024x128xf32>
    %max3A_205 = arith.maximumf %max3A_177, %bitcast_convert_type3A_204 : vector<1024x128xf32>
    %min3A_206 = arith.minimumf %max3A_177, %bitcast_convert_type3A_204 : vector<1024x128xf32>
    %max3A_207 = arith.maximumf %max3A_179, %min3A_206 : vector<1024x128xf32>
    %min3A_208 = arith.minimumf %max3A_179, %min3A_206 : vector<1024x128xf32>
    %max3A_209 = arith.maximumf %max3A_181, %min3A_208 : vector<1024x128xf32>
    %min3A_210 = arith.minimumf %max3A_181, %min3A_208 : vector<1024x128xf32>
    %max3A_211 = arith.maximumf %max3A_183, %min3A_210 : vector<1024x128xf32>
    %min3A_212 = arith.minimumf %max3A_183, %min3A_210 : vector<1024x128xf32>
    %max3A_213 = arith.maximumf %max3A_185, %min3A_212 : vector<1024x128xf32>
    %min3A_214 = arith.minimumf %max3A_185, %min3A_212 : vector<1024x128xf32>
    %max3A_215 = arith.maximumf %max3A_187, %min3A_214 : vector<1024x128xf32>
    %slice3A_216 = vector.extract_strided_slice %dot_general3A_7 {offsets = [0, 896], sizes = [1024, 128], strides = [1, 1]} : vector<1024x2048xf32> to vector<1024x128xf32>
    %add3A_217 = arith.constant 4.000000e+00 : f32
    %add3A_218 = vector.broadcast %add3A_217 : f32 to vector<1024x128xf32>
    %add3A_219 = arith.addf %slice3A_216, %add3A_218 : vector<1024x128xf32>
    %bitcast_convert_type3A_220 = tpu.bitcast %add3A_219 : vector<1024x128xf32> -> vector<1024x128xi32>
    %and3A_221 = arith.constant -1024 : i32
    %and3A_222 = vector.broadcast %and3A_221 : i32 to vector<1024x128xi32>
    %and3A_223 = arith.andi %bitcast_convert_type3A_220, %and3A_222 : vector<1024x128xi32>
    %mul3A_224 = arith.constant 16 : i32
    %mul3A_225 = arith.muli %arg0, %mul3A_224 : i32
    %add3A_226 = arith.constant 7 : i32
    %add3A_227 = arith.addi %mul3A_225, %add3A_226 : i32
    %sub3A_228 = arith.constant 1023 : i32
    %sub3A_229 = arith.subi %sub3A_228, %add3A_227 : i32
    %or3A_230 = vector.broadcast %sub3A_229 : i32 to vector<1024x128xi32>
    %or3A_231 = arith.ori %and3A_223, %or3A_230 : vector<1024x128xi32>
    %bitcast_convert_type3A_232 = tpu.bitcast %or3A_231 : vector<1024x128xi32> -> vector<1024x128xf32>
    %max3A_233 = arith.maximumf %max3A_205, %bitcast_convert_type3A_232 : vector<1024x128xf32>
    %min3A_234 = arith.minimumf %max3A_205, %bitcast_convert_type3A_232 : vector<1024x128xf32>
    %max3A_235 = arith.maximumf %max3A_207, %min3A_234 : vector<1024x128xf32>
    %min3A_236 = arith.minimumf %max3A_207, %min3A_234 : vector<1024x128xf32>
    %max3A_237 = arith.maximumf %max3A_209, %min3A_236 : vector<1024x128xf32>
    %min3A_238 = arith.minimumf %max3A_209, %min3A_236 : vector<1024x128xf32>
    %max3A_239 = arith.maximumf %max3A_211, %min3A_238 : vector<1024x128xf32>
    %min3A_240 = arith.minimumf %max3A_211, %min3A_238 : vector<1024x128xf32>
    %max3A_241 = arith.maximumf %max3A_213, %min3A_240 : vector<1024x128xf32>
    %min3A_242 = arith.minimumf %max3A_213, %min3A_240 : vector<1024x128xf32>
    %max3A_243 = arith.maximumf %max3A_215, %min3A_242 : vector<1024x128xf32>
    %slice3A_244 = vector.extract_strided_slice %dot_general3A_7 {offsets = [0, 1024], sizes = [1024, 128], strides = [1, 1]} : vector<1024x2048xf32> to vector<1024x128xf32>
    %add3A_245 = arith.constant 4.000000e+00 : f32
    %add3A_246 = vector.broadcast %add3A_245 : f32 to vector<1024x128xf32>
    %add3A_247 = arith.addf %slice3A_244, %add3A_246 : vector<1024x128xf32>
    %bitcast_convert_type3A_248 = tpu.bitcast %add3A_247 : vector<1024x128xf32> -> vector<1024x128xi32>
    %and3A_249 = arith.constant -1024 : i32
    %and3A_250 = vector.broadcast %and3A_249 : i32 to vector<1024x128xi32>
    %and3A_251 = arith.andi %bitcast_convert_type3A_248, %and3A_250 : vector<1024x128xi32>
    %mul3A_252 = arith.constant 16 : i32
    %mul3A_253 = arith.muli %arg0, %mul3A_252 : i32
    %add3A_254 = arith.constant 8 : i32
    %add3A_255 = arith.addi %mul3A_253, %add3A_254 : i32
    %sub3A_256 = arith.constant 1023 : i32
    %sub3A_257 = arith.subi %sub3A_256, %add3A_255 : i32
    %or3A_258 = vector.broadcast %sub3A_257 : i32 to vector<1024x128xi32>
    %or3A_259 = arith.ori %and3A_251, %or3A_258 : vector<1024x128xi32>
    %bitcast_convert_type3A_260 = tpu.bitcast %or3A_259 : vector<1024x128xi32> -> vector<1024x128xf32>
    %max3A_261 = arith.maximumf %max3A_233, %bitcast_convert_type3A_260 : vector<1024x128xf32>
    %min3A_262 = arith.minimumf %max3A_233, %bitcast_convert_type3A_260 : vector<1024x128xf32>
    %max3A_263 = arith.maximumf %max3A_235, %min3A_262 : vector<1024x128xf32>
    %min3A_264 = arith.minimumf %max3A_235, %min3A_262 : vector<1024x128xf32>
    %max3A_265 = arith.maximumf %max3A_237, %min3A_264 : vector<1024x128xf32>
    %min3A_266 = arith.minimumf %max3A_237, %min3A_264 : vector<1024x128xf32>
    %max3A_267 = arith.maximumf %max3A_239, %min3A_266 : vector<1024x128xf32>
    %min3A_268 = arith.minimumf %max3A_239, %min3A_266 : vector<1024x128xf32>
    %max3A_269 = arith.maximumf %max3A_241, %min3A_268 : vector<1024x128xf32>
    %min3A_270 = arith.minimumf %max3A_241, %min3A_268 : vector<1024x128xf32>
    %max3A_271 = arith.maximumf %max3A_243, %min3A_270 : vector<1024x128xf32>
    %slice3A_272 = vector.extract_strided_slice %dot_general3A_7 {offsets = [0, 1152], sizes = [1024, 128], strides = [1, 1]} : vector<1024x2048xf32> to vector<1024x128xf32>
    %add3A_273 = arith.constant 4.000000e+00 : f32
    %add3A_274 = vector.broadcast %add3A_273 : f32 to vector<1024x128xf32>
    %add3A_275 = arith.addf %slice3A_272, %add3A_274 : vector<1024x128xf32>
    %bitcast_convert_type3A_276 = tpu.bitcast %add3A_275 : vector<1024x128xf32> -> vector<1024x128xi32>
    %and3A_277 = arith.constant -1024 : i32
    %and3A_278 = vector.broadcast %and3A_277 : i32 to vector<1024x128xi32>
    %and3A_279 = arith.andi %bitcast_convert_type3A_276, %and3A_278 : vector<1024x128xi32>
    %mul3A_280 = arith.constant 16 : i32
    %mul3A_281 = arith.muli %arg0, %mul3A_280 : i32
    %add3A_282 = arith.constant 9 : i32
    %add3A_283 = arith.addi %mul3A_281, %add3A_282 : i32
    %sub3A_284 = arith.constant 1023 : i32
    %sub3A_285 = arith.subi %sub3A_284, %add3A_283 : i32
    %or3A_286 = vector.broadcast %sub3A_285 : i32 to vector<1024x128xi32>
    %or3A_287 = arith.ori %and3A_279, %or3A_286 : vector<1024x128xi32>
    %bitcast_convert_type3A_288 = tpu.bitcast %or3A_287 : vector<1024x128xi32> -> vector<1024x128xf32>
    %max3A_289 = arith.maximumf %max3A_261, %bitcast_convert_type3A_288 : vector<1024x128xf32>
    %min3A_290 = arith.minimumf %max3A_261, %bitcast_convert_type3A_288 : vector<1024x128xf32>
    %max3A_291 = arith.maximumf %max3A_263, %min3A_290 : vector<1024x128xf32>
    %min3A_292 = arith.minimumf %max3A_263, %min3A_290 : vector<1024x128xf32>
    %max3A_293 = arith.maximumf %max3A_265, %min3A_292 : vector<1024x128xf32>
    %min3A_294 = arith.minimumf %max3A_265, %min3A_292 : vector<1024x128xf32>
    %max3A_295 = arith.maximumf %max3A_267, %min3A_294 : vector<1024x128xf32>
    %min3A_296 = arith.minimumf %max3A_267, %min3A_294 : vector<1024x128xf32>
    %max3A_297 = arith.maximumf %max3A_269, %min3A_296 : vector<1024x128xf32>
    %min3A_298 = arith.minimumf %max3A_269, %min3A_296 : vector<1024x128xf32>
    %max3A_299 = arith.maximumf %max3A_271, %min3A_298 : vector<1024x128xf32>
    %slice3A_300 = vector.extract_strided_slice %dot_general3A_7 {offsets = [0, 1280], sizes = [1024, 128], strides = [1, 1]} : vector<1024x2048xf32> to vector<1024x128xf32>
    %add3A_301 = arith.constant 4.000000e+00 : f32
    %add3A_302 = vector.broadcast %add3A_301 : f32 to vector<1024x128xf32>
    %add3A_303 = arith.addf %slice3A_300, %add3A_302 : vector<1024x128xf32>
    %bitcast_convert_type3A_304 = tpu.bitcast %add3A_303 : vector<1024x128xf32> -> vector<1024x128xi32>
    %and3A_305 = arith.constant -1024 : i32
    %and3A_306 = vector.broadcast %and3A_305 : i32 to vector<1024x128xi32>
    %and3A_307 = arith.andi %bitcast_convert_type3A_304, %and3A_306 : vector<1024x128xi32>
    %mul3A_308 = arith.constant 16 : i32
    %mul3A_309 = arith.muli %arg0, %mul3A_308 : i32
    %add3A_310 = arith.constant 10 : i32
    %add3A_311 = arith.addi %mul3A_309, %add3A_310 : i32
    %sub3A_312 = arith.constant 1023 : i32
    %sub3A_313 = arith.subi %sub3A_312, %add3A_311 : i32
    %or3A_314 = vector.broadcast %sub3A_313 : i32 to vector<1024x128xi32>
    %or3A_315 = arith.ori %and3A_307, %or3A_314 : vector<1024x128xi32>
    %bitcast_convert_type3A_316 = tpu.bitcast %or3A_315 : vector<1024x128xi32> -> vector<1024x128xf32>
    %max3A_317 = arith.maximumf %max3A_289, %bitcast_convert_type3A_316 : vector<1024x128xf32>
    %min3A_318 = arith.minimumf %max3A_289, %bitcast_convert_type3A_316 : vector<1024x128xf32>
    %max3A_319 = arith.maximumf %max3A_291, %min3A_318 : vector<1024x128xf32>
    %min3A_320 = arith.minimumf %max3A_291, %min3A_318 : vector<1024x128xf32>
    %max3A_321 = arith.maximumf %max3A_293, %min3A_320 : vector<1024x128xf32>
    %min3A_322 = arith.minimumf %max3A_293, %min3A_320 : vector<1024x128xf32>
    %max3A_323 = arith.maximumf %max3A_295, %min3A_322 : vector<1024x128xf32>
    %min3A_324 = arith.minimumf %max3A_295, %min3A_322 : vector<1024x128xf32>
    %max3A_325 = arith.maximumf %max3A_297, %min3A_324 : vector<1024x128xf32>
    %min3A_326 = arith.minimumf %max3A_297, %min3A_324 : vector<1024x128xf32>
    %max3A_327 = arith.maximumf %max3A_299, %min3A_326 : vector<1024x128xf32>
    %slice3A_328 = vector.extract_strided_slice %dot_general3A_7 {offsets = [0, 1408], sizes = [1024, 128], strides = [1, 1]} : vector<1024x2048xf32> to vector<1024x128xf32>
    %add3A_329 = arith.constant 4.000000e+00 : f32
    %add3A_330 = vector.broadcast %add3A_329 : f32 to vector<1024x128xf32>
    %add3A_331 = arith.addf %slice3A_328, %add3A_330 : vector<1024x128xf32>
    %bitcast_convert_type3A_332 = tpu.bitcast %add3A_331 : vector<1024x128xf32> -> vector<1024x128xi32>
    %and3A_333 = arith.constant -1024 : i32
    %and3A_334 = vector.broadcast %and3A_333 : i32 to vector<1024x128xi32>
    %and3A_335 = arith.andi %bitcast_convert_type3A_332, %and3A_334 : vector<1024x128xi32>
    %mul3A_336 = arith.constant 16 : i32
    %mul3A_337 = arith.muli %arg0, %mul3A_336 : i32
    %add3A_338 = arith.constant 11 : i32
    %add3A_339 = arith.addi %mul3A_337, %add3A_338 : i32
    %sub3A_340 = arith.constant 1023 : i32
    %sub3A_341 = arith.subi %sub3A_340, %add3A_339 : i32
    %or3A_342 = vector.broadcast %sub3A_341 : i32 to vector<1024x128xi32>
    %or3A_343 = arith.ori %and3A_335, %or3A_342 : vector<1024x128xi32>
    %bitcast_convert_type3A_344 = tpu.bitcast %or3A_343 : vector<1024x128xi32> -> vector<1024x128xf32>
    %max3A_345 = arith.maximumf %max3A_317, %bitcast_convert_type3A_344 : vector<1024x128xf32>
    %min3A_346 = arith.minimumf %max3A_317, %bitcast_convert_type3A_344 : vector<1024x128xf32>
    %max3A_347 = arith.maximumf %max3A_319, %min3A_346 : vector<1024x128xf32>
    %min3A_348 = arith.minimumf %max3A_319, %min3A_346 : vector<1024x128xf32>
    %max3A_349 = arith.maximumf %max3A_321, %min3A_348 : vector<1024x128xf32>
    %min3A_350 = arith.minimumf %max3A_321, %min3A_348 : vector<1024x128xf32>
    %max3A_351 = arith.maximumf %max3A_323, %min3A_350 : vector<1024x128xf32>
    %min3A_352 = arith.minimumf %max3A_323, %min3A_350 : vector<1024x128xf32>
    %max3A_353 = arith.maximumf %max3A_325, %min3A_352 : vector<1024x128xf32>
    %min3A_354 = arith.minimumf %max3A_325, %min3A_352 : vector<1024x128xf32>
    %max3A_355 = arith.maximumf %max3A_327, %min3A_354 : vector<1024x128xf32>
    %slice3A_356 = vector.extract_strided_slice %dot_general3A_7 {offsets = [0, 1536], sizes = [1024, 128], strides = [1, 1]} : vector<1024x2048xf32> to vector<1024x128xf32>
    %add3A_357 = arith.constant 4.000000e+00 : f32
    %add3A_358 = vector.broadcast %add3A_357 : f32 to vector<1024x128xf32>
    %add3A_359 = arith.addf %slice3A_356, %add3A_358 : vector<1024x128xf32>
    %bitcast_convert_type3A_360 = tpu.bitcast %add3A_359 : vector<1024x128xf32> -> vector<1024x128xi32>
    %and3A_361 = arith.constant -1024 : i32
    %and3A_362 = vector.broadcast %and3A_361 : i32 to vector<1024x128xi32>
    %and3A_363 = arith.andi %bitcast_convert_type3A_360, %and3A_362 : vector<1024x128xi32>
    %mul3A_364 = arith.constant 16 : i32
    %mul3A_365 = arith.muli %arg0, %mul3A_364 : i32
    %add3A_366 = arith.constant 12 : i32
    %add3A_367 = arith.addi %mul3A_365, %add3A_366 : i32
    %sub3A_368 = arith.constant 1023 : i32
    %sub3A_369 = arith.subi %sub3A_368, %add3A_367 : i32
    %or3A_370 = vector.broadcast %sub3A_369 : i32 to vector<1024x128xi32>
    %or3A_371 = arith.ori %and3A_363, %or3A_370 : vector<1024x128xi32>
    %bitcast_convert_type3A_372 = tpu.bitcast %or3A_371 : vector<1024x128xi32> -> vector<1024x128xf32>
    %max3A_373 = arith.maximumf %max3A_345, %bitcast_convert_type3A_372 : vector<1024x128xf32>
    %min3A_374 = arith.minimumf %max3A_345, %bitcast_convert_type3A_372 : vector<1024x128xf32>
    %max3A_375 = arith.maximumf %max3A_347, %min3A_374 : vector<1024x128xf32>
    %min3A_376 = arith.minimumf %max3A_347, %min3A_374 : vector<1024x128xf32>
    %max3A_377 = arith.maximumf %max3A_349, %min3A_376 : vector<1024x128xf32>
    %min3A_378 = arith.minimumf %max3A_349, %min3A_376 : vector<1024x128xf32>
    %max3A_379 = arith.maximumf %max3A_351, %min3A_378 : vector<1024x128xf32>
    %min3A_380 = arith.minimumf %max3A_351, %min3A_378 : vector<1024x128xf32>
    %max3A_381 = arith.maximumf %max3A_353, %min3A_380 : vector<1024x128xf32>
    %min3A_382 = arith.minimumf %max3A_353, %min3A_380 : vector<1024x128xf32>
    %max3A_383 = arith.maximumf %max3A_355, %min3A_382 : vector<1024x128xf32>
    %slice3A_384 = vector.extract_strided_slice %dot_general3A_7 {offsets = [0, 1664], sizes = [1024, 128], strides = [1, 1]} : vector<1024x2048xf32> to vector<1024x128xf32>
    %add3A_385 = arith.constant 4.000000e+00 : f32
    %add3A_386 = vector.broadcast %add3A_385 : f32 to vector<1024x128xf32>
    %add3A_387 = arith.addf %slice3A_384, %add3A_386 : vector<1024x128xf32>
    %bitcast_convert_type3A_388 = tpu.bitcast %add3A_387 : vector<1024x128xf32> -> vector<1024x128xi32>
    %and3A_389 = arith.constant -1024 : i32
    %and3A_390 = vector.broadcast %and3A_389 : i32 to vector<1024x128xi32>
    %and3A_391 = arith.andi %bitcast_convert_type3A_388, %and3A_390 : vector<1024x128xi32>
    %mul3A_392 = arith.constant 16 : i32
    %mul3A_393 = arith.muli %arg0, %mul3A_392 : i32
    %add3A_394 = arith.constant 13 : i32
    %add3A_395 = arith.addi %mul3A_393, %add3A_394 : i32
    %sub3A_396 = arith.constant 1023 : i32
    %sub3A_397 = arith.subi %sub3A_396, %add3A_395 : i32
    %or3A_398 = vector.broadcast %sub3A_397 : i32 to vector<1024x128xi32>
    %or3A_399 = arith.ori %and3A_391, %or3A_398 : vector<1024x128xi32>
    %bitcast_convert_type3A_400 = tpu.bitcast %or3A_399 : vector<1024x128xi32> -> vector<1024x128xf32>
    %sub3A_401 = arith.constant 1664 : i32
    %sub3A_402 = arith.subi %select_n3A, %sub3A_401 : i32
    %lt3A = vector.broadcast %sub3A_402 : i32 to vector<1024x128xi32>
    %lt3A_403 = arith.cmpi slt, %iota3A, %lt3A : vector<1024x128xi32>
    %jit3A_404 = arith.constant 0.000000e+00 : f32
    %broadcast_in_dim3A = vector.broadcast %jit3A_404 : f32 to vector<1024x128xf32>
    %select_n3A_405 = arith.select %lt3A_403, %bitcast_convert_type3A_400, %broadcast_in_dim3A : vector<1024x128xi1>, vector<1024x128xf32>
    %max3A_406 = arith.maximumf %max3A_373, %select_n3A_405 : vector<1024x128xf32>
    %min3A_407 = arith.minimumf %max3A_373, %select_n3A_405 : vector<1024x128xf32>
    %max3A_408 = arith.maximumf %max3A_375, %min3A_407 : vector<1024x128xf32>
    %min3A_409 = arith.minimumf %max3A_375, %min3A_407 : vector<1024x128xf32>
    %max3A_410 = arith.maximumf %max3A_377, %min3A_409 : vector<1024x128xf32>
    %min3A_411 = arith.minimumf %max3A_377, %min3A_409 : vector<1024x128xf32>
    %max3A_412 = arith.maximumf %max3A_379, %min3A_411 : vector<1024x128xf32>
    %min3A_413 = arith.minimumf %max3A_379, %min3A_411 : vector<1024x128xf32>
    %max3A_414 = arith.maximumf %max3A_381, %min3A_413 : vector<1024x128xf32>
    %min3A_415 = arith.minimumf %max3A_381, %min3A_413 : vector<1024x128xf32>
    %max3A_416 = arith.maximumf %max3A_383, %min3A_415 : vector<1024x128xf32>
    %slice3A_417 = vector.extract_strided_slice %dot_general3A_7 {offsets = [0, 1792], sizes = [1024, 128], strides = [1, 1]} : vector<1024x2048xf32> to vector<1024x128xf32>
    %add3A_418 = arith.constant 4.000000e+00 : f32
    %add3A_419 = vector.broadcast %add3A_418 : f32 to vector<1024x128xf32>
    %add3A_420 = arith.addf %slice3A_417, %add3A_419 : vector<1024x128xf32>
    %bitcast_convert_type3A_421 = tpu.bitcast %add3A_420 : vector<1024x128xf32> -> vector<1024x128xi32>
    %and3A_422 = arith.constant -1024 : i32
    %and3A_423 = vector.broadcast %and3A_422 : i32 to vector<1024x128xi32>
    %and3A_424 = arith.andi %bitcast_convert_type3A_421, %and3A_423 : vector<1024x128xi32>
    %mul3A_425 = arith.constant 16 : i32
    %mul3A_426 = arith.muli %arg0, %mul3A_425 : i32
    %add3A_427 = arith.constant 14 : i32
    %add3A_428 = arith.addi %mul3A_426, %add3A_427 : i32
    %sub3A_429 = arith.constant 1023 : i32
    %sub3A_430 = arith.subi %sub3A_429, %add3A_428 : i32
    %or3A_431 = vector.broadcast %sub3A_430 : i32 to vector<1024x128xi32>
    %or3A_432 = arith.ori %and3A_424, %or3A_431 : vector<1024x128xi32>
    %bitcast_convert_type3A_433 = tpu.bitcast %or3A_432 : vector<1024x128xi32> -> vector<1024x128xf32>
    %sub3A_434 = arith.constant 1792 : i32
    %sub3A_435 = arith.subi %select_n3A, %sub3A_434 : i32
    %lt3A_436 = vector.broadcast %sub3A_435 : i32 to vector<1024x128xi32>
    %lt3A_437 = arith.cmpi slt, %iota3A, %lt3A_436 : vector<1024x128xi32>
    %jit3A_438 = arith.constant 0.000000e+00 : f32
    %broadcast_in_dim3A_439 = vector.broadcast %jit3A_438 : f32 to vector<1024x128xf32>
    %select_n3A_440 = arith.select %lt3A_437, %bitcast_convert_type3A_433, %broadcast_in_dim3A_439 : vector<1024x128xi1>, vector<1024x128xf32>
    %max3A_441 = arith.maximumf %max3A_406, %select_n3A_440 : vector<1024x128xf32>
    %min3A_442 = arith.minimumf %max3A_406, %select_n3A_440 : vector<1024x128xf32>
    %max3A_443 = arith.maximumf %max3A_408, %min3A_442 : vector<1024x128xf32>
    %min3A_444 = arith.minimumf %max3A_408, %min3A_442 : vector<1024x128xf32>
    %max3A_445 = arith.maximumf %max3A_410, %min3A_444 : vector<1024x128xf32>
    %min3A_446 = arith.minimumf %max3A_410, %min3A_444 : vector<1024x128xf32>
    %max3A_447 = arith.maximumf %max3A_412, %min3A_446 : vector<1024x128xf32>
    %min3A_448 = arith.minimumf %max3A_412, %min3A_446 : vector<1024x128xf32>
    %max3A_449 = arith.maximumf %max3A_414, %min3A_448 : vector<1024x128xf32>
    %min3A_450 = arith.minimumf %max3A_414, %min3A_448 : vector<1024x128xf32>
    %max3A_451 = arith.maximumf %max3A_416, %min3A_450 : vector<1024x128xf32>
    %slice3A_452 = vector.extract_strided_slice %dot_general3A_7 {offsets = [0, 1920], sizes = [1024, 128], strides = [1, 1]} : vector<1024x2048xf32> to vector<1024x128xf32>
    %add3A_453 = arith.constant 4.000000e+00 : f32
    %add3A_454 = vector.broadcast %add3A_453 : f32 to vector<1024x128xf32>
    %add3A_455 = arith.addf %slice3A_452, %add3A_454 : vector<1024x128xf32>
    %bitcast_convert_type3A_456 = tpu.bitcast %add3A_455 : vector<1024x128xf32> -> vector<1024x128xi32>
    %and3A_457 = arith.constant -1024 : i32
    %and3A_458 = vector.broadcast %and3A_457 : i32 to vector<1024x128xi32>
    %and3A_459 = arith.andi %bitcast_convert_type3A_456, %and3A_458 : vector<1024x128xi32>
    %mul3A_460 = arith.constant 16 : i32
    %mul3A_461 = arith.muli %arg0, %mul3A_460 : i32
    %add3A_462 = arith.constant 15 : i32
    %add3A_463 = arith.addi %mul3A_461, %add3A_462 : i32
    %sub3A_464 = arith.constant 1023 : i32
    %sub3A_465 = arith.subi %sub3A_464, %add3A_463 : i32
    %or3A_466 = vector.broadcast %sub3A_465 : i32 to vector<1024x128xi32>
    %or3A_467 = arith.ori %and3A_459, %or3A_466 : vector<1024x128xi32>
    %bitcast_convert_type3A_468 = tpu.bitcast %or3A_467 : vector<1024x128xi32> -> vector<1024x128xf32>
    %sub3A_469 = arith.constant 1920 : i32
    %sub3A_470 = arith.subi %select_n3A, %sub3A_469 : i32
    %lt3A_471 = vector.broadcast %sub3A_470 : i32 to vector<1024x128xi32>
    %lt3A_472 = arith.cmpi slt, %iota3A, %lt3A_471 : vector<1024x128xi32>
    %jit3A_473 = arith.constant 0.000000e+00 : f32
    %broadcast_in_dim3A_474 = vector.broadcast %jit3A_473 : f32 to vector<1024x128xf32>
    %select_n3A_475 = arith.select %lt3A_472, %bitcast_convert_type3A_468, %broadcast_in_dim3A_474 : vector<1024x128xi1>, vector<1024x128xf32>
    %max3A_476 = arith.maximumf %max3A_441, %select_n3A_475 : vector<1024x128xf32>
    %min3A_477 = arith.minimumf %max3A_441, %select_n3A_475 : vector<1024x128xf32>
    %max3A_478 = arith.maximumf %max3A_443, %min3A_477 : vector<1024x128xf32>
    %min3A_479 = arith.minimumf %max3A_443, %min3A_477 : vector<1024x128xf32>
    %max3A_480 = arith.maximumf %max3A_445, %min3A_479 : vector<1024x128xf32>
    %min3A_481 = arith.minimumf %max3A_445, %min3A_479 : vector<1024x128xf32>
    %max3A_482 = arith.maximumf %max3A_447, %min3A_481 : vector<1024x128xf32>
    %min3A_483 = arith.minimumf %max3A_447, %min3A_481 : vector<1024x128xf32>
    %max3A_484 = arith.maximumf %max3A_449, %min3A_483 : vector<1024x128xf32>
    %min3A_485 = arith.minimumf %max3A_449, %min3A_483 : vector<1024x128xf32>
    %max3A_486 = arith.maximumf %max3A_451, %min3A_485 : vector<1024x128xf32>
    %swap3A = arith.constant 0 : index
    %swap3A_487 = arith.constant 0 : index
    %swap3A_488 = vector.load %arg6[%swap3A, %swap3A_487] : memref<1024x128xf32, #tpu.memory_space<vmem>>, vector<1024x128xf32>
    tpu.vector_store %arg6[%swap3A, %swap3A_487], %max3A_476 {strides = array<i32>} : memref<1024x128xf32, #tpu.memory_space<vmem>>, vector<1024x128xf32>,
    %swap3A_489 = arith.constant 0 : index
    %swap3A_490 = arith.constant 0 : index
    %swap3A_491 = vector.load %arg7[%swap3A_489, %swap3A_490] : memref<1024x128xf32, #tpu.memory_space<vmem>>, vector<1024x128xf32>
    tpu.vector_store %arg7[%swap3A_489, %swap3A_490], %max3A_478 {strides = array<i32>} : memref<1024x128xf32, #tpu.memory_space<vmem>>, vector<1024x128xf32>,
    %swap3A_492 = arith.constant 0 : index
    %swap3A_493 = arith.constant 0 : index
    %swap3A_494 = vector.load %arg8[%swap3A_492, %swap3A_493] : memref<1024x128xf32, #tpu.memory_space<vmem>>, vector<1024x128xf32>
    tpu.vector_store %arg8[%swap3A_492, %swap3A_493], %max3A_480 {strides = array<i32>} : memref<1024x128xf32, #tpu.memory_space<vmem>>, vector<1024x128xf32>,
    %swap3A_495 = arith.constant 0 : index
    %swap3A_496 = arith.constant 0 : index
    %swap3A_497 = vector.load %arg9[%swap3A_495, %swap3A_496] : memref<1024x128xf32, #tpu.memory_space<vmem>>, vector<1024x128xf32>
    tpu.vector_store %arg9[%swap3A_495, %swap3A_496], %max3A_482 {strides = array<i32>} : memref<1024x128xf32, #tpu.memory_space<vmem>>, vector<1024x128xf32>,
    %swap3A_498 = arith.constant 0 : index
    %swap3A_499 = arith.constant 0 : index
    %swap3A_500 = vector.load %arg10[%swap3A_498, %swap3A_499] : memref<1024x128xf32, #tpu.memory_space<vmem>>, vector<1024x128xf32>
    tpu.vector_store %arg10[%swap3A_498, %swap3A_499], %max3A_484 {strides = array<i32>} : memref<1024x128xf32, #tpu.memory_space<vmem>>, vector<1024x128xf32>,
    %swap3A_501 = arith.constant 0 : index
    %swap3A_502 = arith.constant 0 : index
    %swap3A_503 = vector.load %arg11[%swap3A_501, %swap3A_502] : memref<1024x128xf32, #tpu.memory_space<vmem>>, vector<1024x128xf32>
    tpu.vector_store %arg11[%swap3A_501, %swap3A_502], %max3A_486 {strides = array<i32>} : memref<1024x128xf32, #tpu.memory_space<vmem>>, vector<1024x128xf32>,
    %eq3A_504 = arith.constant 48 : i32
    %eq3A_505 = arith.cmpi eq, %arg0, %eq3A_504 : i32
    %convert_element_type3A_506 = arith.extui %eq3A_505 : i1 to i32
    %cond3A_507 = arith.constant 0 : i32
    %cond3A_508 = arith.cmpi ne, %convert_element_type3A_506, %cond3A_507 : i32
    scf.if %cond3A_508 {
      %get3A_509 = arith.constant 0 : index
      %get3A_510 = arith.constant 0 : index
      %get3A_511 = vector.load %arg6[%get3A_509, %get3A_510] : memref<1024x128xf32, #tpu.memory_space<vmem>>, vector<1024x128xf32>
      %get3A_512 = arith.constant 0 : index
      %get3A_513 = arith.constant 0 : index
      %get3A_514 = vector.load %arg7[%get3A_512, %get3A_513] : memref<1024x128xf32, #tpu.memory_space<vmem>>, vector<1024x128xf32>
      %get3A_515 = arith.constant 0 : index
      %get3A_516 = arith.constant 0 : index
      %get3A_517 = vector.load %arg8[%get3A_515, %get3A_516] : memref<1024x128xf32, #tpu.memory_space<vmem>>, vector<1024x128xf32>
      %get3A_518 = arith.constant 0 : index
      %get3A_519 = arith.constant 0 : index
      %get3A_520 = vector.load %arg9[%get3A_518, %get3A_519] : memref<1024x128xf32, #tpu.memory_space<vmem>>, vector<1024x128xf32>
      %get3A_521 = arith.constant 0 : index
      %get3A_522 = arith.constant 0 : index
      %get3A_523 = vector.load %arg10[%get3A_521, %get3A_522] : memref<1024x128xf32, #tpu.memory_space<vmem>>, vector<1024x128xf32>
      %get3A_524 = arith.constant 0 : index
      %get3A_525 = arith.constant 0 : index
      %get3A_526 = vector.load %arg11[%get3A_524, %get3A_525] : memref<1024x128xf32, #tpu.memory_space<vmem>>, vector<1024x128xf32>
      %max3A_527 = arith.maximumf %get3A_511, %get3A_514 : vector<1024x128xf32>
      %max3A_528 = arith.maximumf %max3A_527, %get3A_517 : vector<1024x128xf32>
      %max3A_529 = arith.maximumf %max3A_528, %get3A_520 : vector<1024x128xf32>
      %max3A_530 = arith.maximumf %max3A_529, %get3A_523 : vector<1024x128xf32>
      %max3A_531 = arith.maximumf %max3A_530, %get3A_526 : vector<1024x128xf32>
      %reduce_max3A = arith.constant dense<0xFF800000> : vector<1024xf32>
      %reduce_max3A_532 = vector.multi_reduction <maximumf>, %max3A_531, %reduce_max3A [1] : vector<1024x128xf32> to vector<1024xf32>
      %broadcast_in_dim3A_533 = vector.shape_cast %reduce_max3A_532 : vector<1024xf32> to vector<1024x1xf32>
      %eq3A_534 = vector.broadcast %broadcast_in_dim3A_533 : vector<1024x1xf32> to vector<1024x128xf32>
      %eq3A_535 = arith.cmpf oeq, %max3A_531, %eq3A_534 : vector<1024x128xf32>
      %jit3A_536 = arith.constant 2147483647 : i32
      %broadcast_in_dim3A_537 = vector.broadcast %jit3A_536 : i32 to vector<1024x128xi32>
      %select_n3A_538 = arith.select %eq3A_535, %iota3A, %broadcast_in_dim3A_537 : vector<1024x128xi1>, vector<1024x128xi32>
      %reduce_min3A = arith.constant dense<2147483647> : vector<1024xi32>
      %reduce_min3A_539 = vector.multi_reduction <minsi>, %select_n3A_538, %reduce_min3A [1] : vector<1024x128xi32> to vector<1024xi32>
      %broadcast_in_dim3A_540 = vector.shape_cast %reduce_min3A_539 : vector<1024xi32> to vector<1024x1xi32>
      %bitcast_convert_type3A_541 = tpu.bitcast %broadcast_in_dim3A_533 : vector<1024x1xf32> -> vector<1024x1xi32>
      %and3A_542 = arith.constant 1023 : i32
      %and3A_543 = vector.broadcast %and3A_542 : i32 to vector<1024x1xi32>
      %and3A_544 = arith.andi %bitcast_convert_type3A_541, %and3A_543 : vector<1024x1xi32>
      %sub3A_545 = arith.constant 1023 : i32
      %sub3A_546 = vector.broadcast %sub3A_545 : i32 to vector<1024x1xi32>
      %sub3A_547 = arith.subi %sub3A_546, %and3A_544 : vector<1024x1xi32>
      %mul3A_548 = arith.constant 128 : i32
      %mul3A_549 = vector.broadcast %mul3A_548 : i32 to vector<1024x1xi32>
      %mul3A_550 = arith.muli %sub3A_547, %mul3A_549 : vector<1024x1xi32>
      %add3A_551 = arith.addi %mul3A_550, %broadcast_in_dim3A_540 : vector<1024x1xi32>
      %eq3A_552 = vector.broadcast %broadcast_in_dim3A_533 : vector<1024x1xf32> to vector<1024x128xf32>
      %eq3A_553 = arith.cmpf oeq, %get3A_511, %eq3A_552 : vector<1024x128xf32>
      %jit3A_554 = arith.constant 0.000000e+00 : f32
      %broadcast_in_dim3A_555 = vector.broadcast %jit3A_554 : f32 to vector<1024x128xf32>
      %select_n3A_556 = arith.select %eq3A_553, %broadcast_in_dim3A_555, %get3A_511 : vector<1024x128xi1>, vector<1024x128xf32>
      %eq3A_557 = vector.broadcast %broadcast_in_dim3A_533 : vector<1024x1xf32> to vector<1024x128xf32>
      %eq3A_558 = arith.cmpf oeq, %get3A_514, %eq3A_557 : vector<1024x128xf32>
      %jit3A_559 = arith.constant 0.000000e+00 : f32
      %broadcast_in_dim3A_560 = vector.broadcast %jit3A_559 : f32 to vector<1024x128xf32>
      %select_n3A_561 = arith.select %eq3A_558, %broadcast_in_dim3A_560, %get3A_514 : vector<1024x128xi1>, vector<1024x128xf32>
      %eq3A_562 = vector.broadcast %broadcast_in_dim3A_533 : vector<1024x1xf32> to vector<1024x128xf32>
      %eq3A_563 = arith.cmpf oeq, %get3A_517, %eq3A_562 : vector<1024x128xf32>
      %jit3A_564 = arith.constant 0.000000e+00 : f32
      %broadcast_in_dim3A_565 = vector.broadcast %jit3A_564 : f32 to vector<1024x128xf32>
      %select_n3A_566 = arith.select %eq3A_563, %broadcast_in_dim3A_565, %get3A_517 : vector<1024x128xi1>, vector<1024x128xf32>
      %eq3A_567 = vector.broadcast %broadcast_in_dim3A_533 : vector<1024x1xf32> to vector<1024x128xf32>
      %eq3A_568 = arith.cmpf oeq, %get3A_520, %eq3A_567 : vector<1024x128xf32>
      %jit3A_569 = arith.constant 0.000000e+00 : f32
      %broadcast_in_dim3A_570 = vector.broadcast %jit3A_569 : f32 to vector<1024x128xf32>
      %select_n3A_571 = arith.select %eq3A_568, %broadcast_in_dim3A_570, %get3A_520 : vector<1024x128xi1>, vector<1024x128xf32>
      %eq3A_572 = vector.broadcast %broadcast_in_dim3A_533 : vector<1024x1xf32> to vector<1024x128xf32>
      %eq3A_573 = arith.cmpf oeq, %get3A_523, %eq3A_572 : vector<1024x128xf32>
      %jit3A_574 = arith.constant 0.000000e+00 : f32
      %broadcast_in_dim3A_575 = vector.broadcast %jit3A_574 : f32 to vector<1024x128xf32>
      %select_n3A_576 = arith.select %eq3A_573, %broadcast_in_dim3A_575, %get3A_523 : vector<1024x128xi1>, vector<1024x128xf32>
      %eq3A_577 = vector.broadcast %broadcast_in_dim3A_533 : vector<1024x1xf32> to vector<1024x128xf32>
      %eq3A_578 = arith.cmpf oeq, %get3A_526, %eq3A_577 : vector<1024x128xf32>
      %jit3A_579 = arith.constant 0.000000e+00 : f32
      %broadcast_in_dim3A_580 = vector.broadcast %jit3A_579 : f32 to vector<1024x128xf32>
      %select_n3A_581 = arith.select %eq3A_578, %broadcast_in_dim3A_580, %get3A_526 : vector<1024x128xi1>, vector<1024x128xf32>
      %max3A_582 = arith.maximumf %select_n3A_556, %select_n3A_561 : vector<1024x128xf32>
      %max3A_583 = arith.maximumf %max3A_582, %select_n3A_566 : vector<1024x128xf32>
      %max3A_584 = arith.maximumf %max3A_583, %select_n3A_571 : vector<1024x128xf32>
      %max3A_585 = arith.maximumf %max3A_584, %select_n3A_576 : vector<1024x128xf32>
      %max3A_586 = arith.maximumf %max3A_585, %select_n3A_581 : vector<1024x128xf32>
      %reduce_max3A_587 = arith.constant dense<0xFF800000> : vector<1024xf32>
      %reduce_max3A_588 = vector.multi_reduction <maximumf>, %max3A_586, %reduce_max3A_587 [1] : vector<1024x128xf32> to vector<1024xf32>
      %broadcast_in_dim3A_589 = vector.shape_cast %reduce_max3A_588 : vector<1024xf32> to vector<1024x1xf32>
      %eq3A_590 = vector.broadcast %broadcast_in_dim3A_589 : vector<1024x1xf32> to vector<1024x128xf32>
      %eq3A_591 = arith.cmpf oeq, %max3A_586, %eq3A_590 : vector<1024x128xf32>
      %jit3A_592 = arith.constant 2147483647 : i32
      %broadcast_in_dim3A_593 = vector.broadcast %jit3A_592 : i32 to vector<1024x128xi32>
      %select_n3A_594 = arith.select %eq3A_591, %iota3A, %broadcast_in_dim3A_593 : vector<1024x128xi1>, vector<1024x128xi32>
      %reduce_min3A_595 = arith.constant dense<2147483647> : vector<1024xi32>
      %reduce_min3A_596 = vector.multi_reduction <minsi>, %select_n3A_594, %reduce_min3A_595 [1] : vector<1024x128xi32> to vector<1024xi32>
      %broadcast_in_dim3A_597 = vector.shape_cast %reduce_min3A_596 : vector<1024xi32> to vector<1024x1xi32>
      %bitcast_convert_type3A_598 = tpu.bitcast %broadcast_in_dim3A_589 : vector<1024x1xf32> -> vector<1024x1xi32>
      %and3A_599 = arith.constant 1023 : i32
      %and3A_600 = vector.broadcast %and3A_599 : i32 to vector<1024x1xi32>
      %and3A_601 = arith.andi %bitcast_convert_type3A_598, %and3A_600 : vector<1024x1xi32>
      %sub3A_602 = arith.constant 1023 : i32
      %sub3A_603 = vector.broadcast %sub3A_602 : i32 to vector<1024x1xi32>
      %sub3A_604 = arith.subi %sub3A_603, %and3A_601 : vector<1024x1xi32>
      %mul3A_605 = arith.constant 128 : i32
      %mul3A_606 = vector.broadcast %mul3A_605 : i32 to vector<1024x1xi32>
      %mul3A_607 = arith.muli %sub3A_604, %mul3A_606 : vector<1024x1xi32>
      %add3A_608 = arith.addi %mul3A_607, %broadcast_in_dim3A_597 : vector<1024x1xi32>
      %eq3A_609 = vector.broadcast %broadcast_in_dim3A_589 : vector<1024x1xf32> to vector<1024x128xf32>
      %eq3A_610 = arith.cmpf oeq, %select_n3A_556, %eq3A_609 : vector<1024x128xf32>
      %jit3A_611 = arith.constant 0.000000e+00 : f32
      %broadcast_in_dim3A_612 = vector.broadcast %jit3A_611 : f32 to vector<1024x128xf32>
      %select_n3A_613 = arith.select %eq3A_610, %broadcast_in_dim3A_612, %select_n3A_556 : vector<1024x128xi1>, vector<1024x128xf32>
      %eq3A_614 = vector.broadcast %broadcast_in_dim3A_589 : vector<1024x1xf32> to vector<1024x128xf32>
      %eq3A_615 = arith.cmpf oeq, %select_n3A_561, %eq3A_614 : vector<1024x128xf32>
      %jit3A_616 = arith.constant 0.000000e+00 : f32
      %broadcast_in_dim3A_617 = vector.broadcast %jit3A_616 : f32 to vector<1024x128xf32>
      %select_n3A_618 = arith.select %eq3A_615, %broadcast_in_dim3A_617, %select_n3A_561 : vector<1024x128xi1>, vector<1024x128xf32>
      %eq3A_619 = vector.broadcast %broadcast_in_dim3A_589 : vector<1024x1xf32> to vector<1024x128xf32>
      %eq3A_620 = arith.cmpf oeq, %select_n3A_566, %eq3A_619 : vector<1024x128xf32>
      %jit3A_621 = arith.constant 0.000000e+00 : f32
      %broadcast_in_dim3A_622 = vector.broadcast %jit3A_621 : f32 to vector<1024x128xf32>
      %select_n3A_623 = arith.select %eq3A_620, %broadcast_in_dim3A_622, %select_n3A_566 : vector<1024x128xi1>, vector<1024x128xf32>
      %eq3A_624 = vector.broadcast %broadcast_in_dim3A_589 : vector<1024x1xf32> to vector<1024x128xf32>
      %eq3A_625 = arith.cmpf oeq, %select_n3A_571, %eq3A_624 : vector<1024x128xf32>
      %jit3A_626 = arith.constant 0.000000e+00 : f32
      %broadcast_in_dim3A_627 = vector.broadcast %jit3A_626 : f32 to vector<1024x128xf32>
      %select_n3A_628 = arith.select %eq3A_625, %broadcast_in_dim3A_627, %select_n3A_571 : vector<1024x128xi1>, vector<1024x128xf32>
      %eq3A_629 = vector.broadcast %broadcast_in_dim3A_589 : vector<1024x1xf32> to vector<1024x128xf32>
      %eq3A_630 = arith.cmpf oeq, %select_n3A_576, %eq3A_629 : vector<1024x128xf32>
      %jit3A_631 = arith.constant 0.000000e+00 : f32
      %broadcast_in_dim3A_632 = vector.broadcast %jit3A_631 : f32 to vector<1024x128xf32>
      %select_n3A_633 = arith.select %eq3A_630, %broadcast_in_dim3A_632, %select_n3A_576 : vector<1024x128xi1>, vector<1024x128xf32>
      %eq3A_634 = vector.broadcast %broadcast_in_dim3A_589 : vector<1024x1xf32> to vector<1024x128xf32>
      %eq3A_635 = arith.cmpf oeq, %select_n3A_581, %eq3A_634 : vector<1024x128xf32>
      %jit3A_636 = arith.constant 0.000000e+00 : f32
      %broadcast_in_dim3A_637 = vector.broadcast %jit3A_636 : f32 to vector<1024x128xf32>
      %select_n3A_638 = arith.select %eq3A_635, %broadcast_in_dim3A_637, %select_n3A_581 : vector<1024x128xi1>, vector<1024x128xf32>
      %max3A_639 = arith.maximumf %select_n3A_613, %select_n3A_618 : vector<1024x128xf32>
      %max3A_640 = arith.maximumf %max3A_639, %select_n3A_623 : vector<1024x128xf32>
      %max3A_641 = arith.maximumf %max3A_640, %select_n3A_628 : vector<1024x128xf32>
      %max3A_642 = arith.maximumf %max3A_641, %select_n3A_633 : vector<1024x128xf32>
      %max3A_643 = arith.maximumf %max3A_642, %select_n3A_638 : vector<1024x128xf32>
      %reduce_max3A_644 = arith.constant dense<0xFF800000> : vector<1024xf32>
      %reduce_max3A_645 = vector.multi_reduction <maximumf>, %max3A_643, %reduce_max3A_644 [1] : vector<1024x128xf32> to vector<1024xf32>
      %broadcast_in_dim3A_646 = vector.shape_cast %reduce_max3A_645 : vector<1024xf32> to vector<1024x1xf32>
      %eq3A_647 = vector.broadcast %broadcast_in_dim3A_646 : vector<1024x1xf32> to vector<1024x128xf32>
      %eq3A_648 = arith.cmpf oeq, %max3A_643, %eq3A_647 : vector<1024x128xf32>
      %jit3A_649 = arith.constant 2147483647 : i32
      %broadcast_in_dim3A_650 = vector.broadcast %jit3A_649 : i32 to vector<1024x128xi32>
      %select_n3A_651 = arith.select %eq3A_648, %iota3A, %broadcast_in_dim3A_650 : vector<1024x128xi1>, vector<1024x128xi32>
      %reduce_min3A_652 = arith.constant dense<2147483647> : vector<1024xi32>
      %reduce_min3A_653 = vector.multi_reduction <minsi>, %select_n3A_651, %reduce_min3A_652 [1] : vector<1024x128xi32> to vector<1024xi32>
      %broadcast_in_dim3A_654 = vector.shape_cast %reduce_min3A_653 : vector<1024xi32> to vector<1024x1xi32>
      %bitcast_convert_type3A_655 = tpu.bitcast %broadcast_in_dim3A_646 : vector<1024x1xf32> -> vector<1024x1xi32>
      %and3A_656 = arith.constant 1023 : i32
      %and3A_657 = vector.broadcast %and3A_656 : i32 to vector<1024x1xi32>
      %and3A_658 = arith.andi %bitcast_convert_type3A_655, %and3A_657 : vector<1024x1xi32>
      %sub3A_659 = arith.constant 1023 : i32
      %sub3A_660 = vector.broadcast %sub3A_659 : i32 to vector<1024x1xi32>
      %sub3A_661 = arith.subi %sub3A_660, %and3A_658 : vector<1024x1xi32>
      %mul3A_662 = arith.constant 128 : i32
      %mul3A_663 = vector.broadcast %mul3A_662 : i32 to vector<1024x1xi32>
      %mul3A_664 = arith.muli %sub3A_661, %mul3A_663 : vector<1024x1xi32>
      %add3A_665 = arith.addi %mul3A_664, %broadcast_in_dim3A_654 : vector<1024x1xi32>
      %eq3A_666 = vector.broadcast %broadcast_in_dim3A_646 : vector<1024x1xf32> to vector<1024x128xf32>
      %eq3A_667 = arith.cmpf oeq, %select_n3A_613, %eq3A_666 : vector<1024x128xf32>
      %jit3A_668 = arith.constant 0.000000e+00 : f32
      %broadcast_in_dim3A_669 = vector.broadcast %jit3A_668 : f32 to vector<1024x128xf32>
      %select_n3A_670 = arith.select %eq3A_667, %broadcast_in_dim3A_669, %select_n3A_613 : vector<1024x128xi1>, vector<1024x128xf32>
      %eq3A_671 = vector.broadcast %broadcast_in_dim3A_646 : vector<1024x1xf32> to vector<1024x128xf32>
      %eq3A_672 = arith.cmpf oeq, %select_n3A_618, %eq3A_671 : vector<1024x128xf32>
      %jit3A_673 = arith.constant 0.000000e+00 : f32
      %broadcast_in_dim3A_674 = vector.broadcast %jit3A_673 : f32 to vector<1024x128xf32>
      %select_n3A_675 = arith.select %eq3A_672, %broadcast_in_dim3A_674, %select_n3A_618 : vector<1024x128xi1>, vector<1024x128xf32>
      %eq3A_676 = vector.broadcast %broadcast_in_dim3A_646 : vector<1024x1xf32> to vector<1024x128xf32>
      %eq3A_677 = arith.cmpf oeq, %select_n3A_623, %eq3A_676 : vector<1024x128xf32>
      %jit3A_678 = arith.constant 0.000000e+00 : f32
      %broadcast_in_dim3A_679 = vector.broadcast %jit3A_678 : f32 to vector<1024x128xf32>
      %select_n3A_680 = arith.select %eq3A_677, %broadcast_in_dim3A_679, %select_n3A_623 : vector<1024x128xi1>, vector<1024x128xf32>
      %eq3A_681 = vector.broadcast %broadcast_in_dim3A_646 : vector<1024x1xf32> to vector<1024x128xf32>
      %eq3A_682 = arith.cmpf oeq, %select_n3A_628, %eq3A_681 : vector<1024x128xf32>
      %jit3A_683 = arith.constant 0.000000e+00 : f32
      %broadcast_in_dim3A_684 = vector.broadcast %jit3A_683 : f32 to vector<1024x128xf32>
      %select_n3A_685 = arith.select %eq3A_682, %broadcast_in_dim3A_684, %select_n3A_628 : vector<1024x128xi1>, vector<1024x128xf32>
      %eq3A_686 = vector.broadcast %broadcast_in_dim3A_646 : vector<1024x1xf32> to vector<1024x128xf32>
      %eq3A_687 = arith.cmpf oeq, %select_n3A_633, %eq3A_686 : vector<1024x128xf32>
      %jit3A_688 = arith.constant 0.000000e+00 : f32
      %broadcast_in_dim3A_689 = vector.broadcast %jit3A_688 : f32 to vector<1024x128xf32>
      %select_n3A_690 = arith.select %eq3A_687, %broadcast_in_dim3A_689, %select_n3A_633 : vector<1024x128xi1>, vector<1024x128xf32>
      %eq3A_691 = vector.broadcast %broadcast_in_dim3A_646 : vector<1024x1xf32> to vector<1024x128xf32>
      %eq3A_692 = arith.cmpf oeq, %select_n3A_638, %eq3A_691 : vector<1024x128xf32>
      %jit3A_693 = arith.constant 0.000000e+00 : f32
      %broadcast_in_dim3A_694 = vector.broadcast %jit3A_693 : f32 to vector<1024x128xf32>
      %select_n3A_695 = arith.select %eq3A_692, %broadcast_in_dim3A_694, %select_n3A_638 : vector<1024x128xi1>, vector<1024x128xf32>
      %max3A_696 = arith.maximumf %select_n3A_670, %select_n3A_675 : vector<1024x128xf32>
      %max3A_697 = arith.maximumf %max3A_696, %select_n3A_680 : vector<1024x128xf32>
      %max3A_698 = arith.maximumf %max3A_697, %select_n3A_685 : vector<1024x128xf32>
      %max3A_699 = arith.maximumf %max3A_698, %select_n3A_690 : vector<1024x128xf32>
      %max3A_700 = arith.maximumf %max3A_699, %select_n3A_695 : vector<1024x128xf32>
      %reduce_max3A_701 = arith.constant dense<0xFF800000> : vector<1024xf32>
      %reduce_max3A_702 = vector.multi_reduction <maximumf>, %max3A_700, %reduce_max3A_701 [1] : vector<1024x128xf32> to vector<1024xf32>
      %broadcast_in_dim3A_703 = vector.shape_cast %reduce_max3A_702 : vector<1024xf32> to vector<1024x1xf32>
      %eq3A_704 = vector.broadcast %broadcast_in_dim3A_703 : vector<1024x1xf32> to vector<1024x128xf32>
      %eq3A_705 = arith.cmpf oeq, %max3A_700, %eq3A_704 : vector<1024x128xf32>
      %jit3A_706 = arith.constant 2147483647 : i32
      %broadcast_in_dim3A_707 = vector.broadcast %jit3A_706 : i32 to vector<1024x128xi32>
      %select_n3A_708 = arith.select %eq3A_705, %iota3A, %broadcast_in_dim3A_707 : vector<1024x128xi1>, vector<1024x128xi32>
      %reduce_min3A_709 = arith.constant dense<2147483647> : vector<1024xi32>
      %reduce_min3A_710 = vector.multi_reduction <minsi>, %select_n3A_708, %reduce_min3A_709 [1] : vector<1024x128xi32> to vector<1024xi32>
      %broadcast_in_dim3A_711 = vector.shape_cast %reduce_min3A_710 : vector<1024xi32> to vector<1024x1xi32>
      %bitcast_convert_type3A_712 = tpu.bitcast %broadcast_in_dim3A_703 : vector<1024x1xf32> -> vector<1024x1xi32>
      %and3A_713 = arith.constant 1023 : i32
      %and3A_714 = vector.broadcast %and3A_713 : i32 to vector<1024x1xi32>
      %and3A_715 = arith.andi %bitcast_convert_type3A_712, %and3A_714 : vector<1024x1xi32>
      %sub3A_716 = arith.constant 1023 : i32
      %sub3A_717 = vector.broadcast %sub3A_716 : i32 to vector<1024x1xi32>
      %sub3A_718 = arith.subi %sub3A_717, %and3A_715 : vector<1024x1xi32>
      %mul3A_719 = arith.constant 128 : i32
      %mul3A_720 = vector.broadcast %mul3A_719 : i32 to vector<1024x1xi32>
      %mul3A_721 = arith.muli %sub3A_718, %mul3A_720 : vector<1024x1xi32>
      %add3A_722 = arith.addi %mul3A_721, %broadcast_in_dim3A_711 : vector<1024x1xi32>
      %eq3A_723 = vector.broadcast %broadcast_in_dim3A_703 : vector<1024x1xf32> to vector<1024x128xf32>
      %eq3A_724 = arith.cmpf oeq, %select_n3A_670, %eq3A_723 : vector<1024x128xf32>
      %jit3A_725 = arith.constant 0.000000e+00 : f32
      %broadcast_in_dim3A_726 = vector.broadcast %jit3A_725 : f32 to vector<1024x128xf32>
      %select_n3A_727 = arith.select %eq3A_724, %broadcast_in_dim3A_726, %select_n3A_670 : vector<1024x128xi1>, vector<1024x128xf32>
      %eq3A_728 = vector.broadcast %broadcast_in_dim3A_703 : vector<1024x1xf32> to vector<1024x128xf32>
      %eq3A_729 = arith.cmpf oeq, %select_n3A_675, %eq3A_728 : vector<1024x128xf32>
      %jit3A_730 = arith.constant 0.000000e+00 : f32
      %broadcast_in_dim3A_731 = vector.broadcast %jit3A_730 : f32 to vector<1024x128xf32>
      %select_n3A_732 = arith.select %eq3A_729, %broadcast_in_dim3A_731, %select_n3A_675 : vector<1024x128xi1>, vector<1024x128xf32>
      %eq3A_733 = vector.broadcast %broadcast_in_dim3A_703 : vector<1024x1xf32> to vector<1024x128xf32>
      %eq3A_734 = arith.cmpf oeq, %select_n3A_680, %eq3A_733 : vector<1024x128xf32>
      %jit3A_735 = arith.constant 0.000000e+00 : f32
      %broadcast_in_dim3A_736 = vector.broadcast %jit3A_735 : f32 to vector<1024x128xf32>
      %select_n3A_737 = arith.select %eq3A_734, %broadcast_in_dim3A_736, %select_n3A_680 : vector<1024x128xi1>, vector<1024x128xf32>
      %eq3A_738 = vector.broadcast %broadcast_in_dim3A_703 : vector<1024x1xf32> to vector<1024x128xf32>
      %eq3A_739 = arith.cmpf oeq, %select_n3A_685, %eq3A_738 : vector<1024x128xf32>
      %jit3A_740 = arith.constant 0.000000e+00 : f32
      %broadcast_in_dim3A_741 = vector.broadcast %jit3A_740 : f32 to vector<1024x128xf32>
      %select_n3A_742 = arith.select %eq3A_739, %broadcast_in_dim3A_741, %select_n3A_685 : vector<1024x128xi1>, vector<1024x128xf32>
      %eq3A_743 = vector.broadcast %broadcast_in_dim3A_703 : vector<1024x1xf32> to vector<1024x128xf32>
      %eq3A_744 = arith.cmpf oeq, %select_n3A_690, %eq3A_743 : vector<1024x128xf32>
      %jit3A_745 = arith.constant 0.000000e+00 : f32
      %broadcast_in_dim3A_746 = vector.broadcast %jit3A_745 : f32 to vector<1024x128xf32>
      %select_n3A_747 = arith.select %eq3A_744, %broadcast_in_dim3A_746, %select_n3A_690 : vector<1024x128xi1>, vector<1024x128xf32>
      %eq3A_748 = vector.broadcast %broadcast_in_dim3A_703 : vector<1024x1xf32> to vector<1024x128xf32>
      %eq3A_749 = arith.cmpf oeq, %select_n3A_695, %eq3A_748 : vector<1024x128xf32>
      %jit3A_750 = arith.constant 0.000000e+00 : f32
      %broadcast_in_dim3A_751 = vector.broadcast %jit3A_750 : f32 to vector<1024x128xf32>
      %select_n3A_752 = arith.select %eq3A_749, %broadcast_in_dim3A_751, %select_n3A_695 : vector<1024x128xi1>, vector<1024x128xf32>
      %max3A_753 = arith.maximumf %select_n3A_727, %select_n3A_732 : vector<1024x128xf32>
      %max3A_754 = arith.maximumf %max3A_753, %select_n3A_737 : vector<1024x128xf32>
      %max3A_755 = arith.maximumf %max3A_754, %select_n3A_742 : vector<1024x128xf32>
      %max3A_756 = arith.maximumf %max3A_755, %select_n3A_747 : vector<1024x128xf32>
      %max3A_757 = arith.maximumf %max3A_756, %select_n3A_752 : vector<1024x128xf32>
      %reduce_max3A_758 = arith.constant dense<0xFF800000> : vector<1024xf32>
      %reduce_max3A_759 = vector.multi_reduction <maximumf>, %max3A_757, %reduce_max3A_758 [1] : vector<1024x128xf32> to vector<1024xf32>
      %broadcast_in_dim3A_760 = vector.shape_cast %reduce_max3A_759 : vector<1024xf32> to vector<1024x1xf32>
      %eq3A_761 = vector.broadcast %broadcast_in_dim3A_760 : vector<1024x1xf32> to vector<1024x128xf32>
      %eq3A_762 = arith.cmpf oeq, %max3A_757, %eq3A_761 : vector<1024x128xf32>
      %jit3A_763 = arith.constant 2147483647 : i32
      %broadcast_in_dim3A_764 = vector.broadcast %jit3A_763 : i32 to vector<1024x128xi32>
      %select_n3A_765 = arith.select %eq3A_762, %iota3A, %broadcast_in_dim3A_764 : vector<1024x128xi1>, vector<1024x128xi32>
      %reduce_min3A_766 = arith.constant dense<2147483647> : vector<1024xi32>
      %reduce_min3A_767 = vector.multi_reduction <minsi>, %select_n3A_765, %reduce_min3A_766 [1] : vector<1024x128xi32> to vector<1024xi32>
      %broadcast_in_dim3A_768 = vector.shape_cast %reduce_min3A_767 : vector<1024xi32> to vector<1024x1xi32>
      %bitcast_convert_type3A_769 = tpu.bitcast %broadcast_in_dim3A_760 : vector<1024x1xf32> -> vector<1024x1xi32>
      %and3A_770 = arith.constant 1023 : i32
      %and3A_771 = vector.broadcast %and3A_770 : i32 to vector<1024x1xi32>
      %and3A_772 = arith.andi %bitcast_convert_type3A_769, %and3A_771 : vector<1024x1xi32>
      %sub3A_773 = arith.constant 1023 : i32
      %sub3A_774 = vector.broadcast %sub3A_773 : i32 to vector<1024x1xi32>
      %sub3A_775 = arith.subi %sub3A_774, %and3A_772 : vector<1024x1xi32>
      %mul3A_776 = arith.constant 128 : i32
      %mul3A_777 = vector.broadcast %mul3A_776 : i32 to vector<1024x1xi32>
      %mul3A_778 = arith.muli %sub3A_775, %mul3A_777 : vector<1024x1xi32>
      %add3A_779 = arith.addi %mul3A_778, %broadcast_in_dim3A_768 : vector<1024x1xi32>
      %eq3A_780 = vector.broadcast %broadcast_in_dim3A_760 : vector<1024x1xf32> to vector<1024x128xf32>
      %eq3A_781 = arith.cmpf oeq, %select_n3A_727, %eq3A_780 : vector<1024x128xf32>
      %jit3A_782 = arith.constant 0.000000e+00 : f32
      %broadcast_in_dim3A_783 = vector.broadcast %jit3A_782 : f32 to vector<1024x128xf32>
      %select_n3A_784 = arith.select %eq3A_781, %broadcast_in_dim3A_783, %select_n3A_727 : vector<1024x128xi1>, vector<1024x128xf32>
      %eq3A_785 = vector.broadcast %broadcast_in_dim3A_760 : vector<1024x1xf32> to vector<1024x128xf32>
      %eq3A_786 = arith.cmpf oeq, %select_n3A_732, %eq3A_785 : vector<1024x128xf32>
      %jit3A_787 = arith.constant 0.000000e+00 : f32
      %broadcast_in_dim3A_788 = vector.broadcast %jit3A_787 : f32 to vector<1024x128xf32>
      %select_n3A_789 = arith.select %eq3A_786, %broadcast_in_dim3A_788, %select_n3A_732 : vector<1024x128xi1>, vector<1024x128xf32>
      %eq3A_790 = vector.broadcast %broadcast_in_dim3A_760 : vector<1024x1xf32> to vector<1024x128xf32>
      %eq3A_791 = arith.cmpf oeq, %select_n3A_737, %eq3A_790 : vector<1024x128xf32>
      %jit3A_792 = arith.constant 0.000000e+00 : f32
      %broadcast_in_dim3A_793 = vector.broadcast %jit3A_792 : f32 to vector<1024x128xf32>
      %select_n3A_794 = arith.select %eq3A_791, %broadcast_in_dim3A_793, %select_n3A_737 : vector<1024x128xi1>, vector<1024x128xf32>
      %eq3A_795 = vector.broadcast %broadcast_in_dim3A_760 : vector<1024x1xf32> to vector<1024x128xf32>
      %eq3A_796 = arith.cmpf oeq, %select_n3A_742, %eq3A_795 : vector<1024x128xf32>
      %jit3A_797 = arith.constant 0.000000e+00 : f32
      %broadcast_in_dim3A_798 = vector.broadcast %jit3A_797 : f32 to vector<1024x128xf32>
      %select_n3A_799 = arith.select %eq3A_796, %broadcast_in_dim3A_798, %select_n3A_742 : vector<1024x128xi1>, vector<1024x128xf32>
      %eq3A_800 = vector.broadcast %broadcast_in_dim3A_760 : vector<1024x1xf32> to vector<1024x128xf32>
      %eq3A_801 = arith.cmpf oeq, %select_n3A_747, %eq3A_800 : vector<1024x128xf32>
      %jit3A_802 = arith.constant 0.000000e+00 : f32
      %broadcast_in_dim3A_803 = vector.broadcast %jit3A_802 : f32 to vector<1024x128xf32>
      %select_n3A_804 = arith.select %eq3A_801, %broadcast_in_dim3A_803, %select_n3A_747 : vector<1024x128xi1>, vector<1024x128xf32>
      %eq3A_805 = vector.broadcast %broadcast_in_dim3A_760 : vector<1024x1xf32> to vector<1024x128xf32>
      %eq3A_806 = arith.cmpf oeq, %select_n3A_752, %eq3A_805 : vector<1024x128xf32>
      %jit3A_807 = arith.constant 0.000000e+00 : f32
      %broadcast_in_dim3A_808 = vector.broadcast %jit3A_807 : f32 to vector<1024x128xf32>
      %select_n3A_809 = arith.select %eq3A_806, %broadcast_in_dim3A_808, %select_n3A_752 : vector<1024x128xi1>, vector<1024x128xf32>
      %max3A_810 = arith.maximumf %select_n3A_784, %select_n3A_789 : vector<1024x128xf32>
      %max3A_811 = arith.maximumf %max3A_810, %select_n3A_794 : vector<1024x128xf32>
      %max3A_812 = arith.maximumf %max3A_811, %select_n3A_799 : vector<1024x128xf32>
      %max3A_813 = arith.maximumf %max3A_812, %select_n3A_804 : vector<1024x128xf32>
      %max3A_814 = arith.maximumf %max3A_813, %select_n3A_809 : vector<1024x128xf32>
      %reduce_max3A_815 = arith.constant dense<0xFF800000> : vector<1024xf32>
      %reduce_max3A_816 = vector.multi_reduction <maximumf>, %max3A_814, %reduce_max3A_815 [1] : vector<1024x128xf32> to vector<1024xf32>
      %broadcast_in_dim3A_817 = vector.shape_cast %reduce_max3A_816 : vector<1024xf32> to vector<1024x1xf32>
      %eq3A_818 = vector.broadcast %broadcast_in_dim3A_817 : vector<1024x1xf32> to vector<1024x128xf32>
      %eq3A_819 = arith.cmpf oeq, %max3A_814, %eq3A_818 : vector<1024x128xf32>
      %jit3A_820 = arith.constant 2147483647 : i32
      %broadcast_in_dim3A_821 = vector.broadcast %jit3A_820 : i32 to vector<1024x128xi32>
      %select_n3A_822 = arith.select %eq3A_819, %iota3A, %broadcast_in_dim3A_821 : vector<1024x128xi1>, vector<1024x128xi32>
      %reduce_min3A_823 = arith.constant dense<2147483647> : vector<1024xi32>
      %reduce_min3A_824 = vector.multi_reduction <minsi>, %select_n3A_822, %reduce_min3A_823 [1] : vector<1024x128xi32> to vector<1024xi32>
      %broadcast_in_dim3A_825 = vector.shape_cast %reduce_min3A_824 : vector<1024xi32> to vector<1024x1xi32>
      %bitcast_convert_type3A_826 = tpu.bitcast %broadcast_in_dim3A_817 : vector<1024x1xf32> -> vector<1024x1xi32>
      %and3A_827 = arith.constant 1023 : i32
      %and3A_828 = vector.broadcast %and3A_827 : i32 to vector<1024x1xi32>
      %and3A_829 = arith.andi %bitcast_convert_type3A_826, %and3A_828 : vector<1024x1xi32>
      %sub3A_830 = arith.constant 1023 : i32
      %sub3A_831 = vector.broadcast %sub3A_830 : i32 to vector<1024x1xi32>
      %sub3A_832 = arith.subi %sub3A_831, %and3A_829 : vector<1024x1xi32>
      %mul3A_833 = arith.constant 128 : i32
      %mul3A_834 = vector.broadcast %mul3A_833 : i32 to vector<1024x1xi32>
      %mul3A_835 = arith.muli %sub3A_832, %mul3A_834 : vector<1024x1xi32>
      %add3A_836 = arith.addi %mul3A_835, %broadcast_in_dim3A_825 : vector<1024x1xi32>
      %broadcast_in_dim3A_837 = arith.constant 0 : i32
      %broadcast_in_dim3A_838 = vector.broadcast %broadcast_in_dim3A_837 : i32 to vector<1024x2xi32>
      %concatenate3A = tpu.concatenate %add3A_551, %add3A_608, %add3A_665, %add3A_722, %add3A_779, %add3A_836, %broadcast_in_dim3A_838 in 1 : vector<1024x1xi32>, vector<1024x1xi32>, vector<1024x1xi32>, vector<1024x1xi32>, vector<1024x1xi32>, vector<1024x1xi32>, vector<1024x2xi32> -> vector<1024x8xi32>
      %get3A_839 = arith.constant 0 : index
      %get3A_840 = arith.constant 0 : index
      %get3A_841 = vector.load %arg2[%get3A_839, %get3A_840] : memref<1024x1xi32, #tpu.memory_space<vmem>>, vector<1024x1xi32>
      %eq3A_842 = vector.broadcast %get3A_841 : vector<1024x1xi32> to vector<1024x8xi32>
      %eq3A_843 = arith.cmpi eq, %concatenate3A, %eq3A_842 : vector<1024x8xi32>
      %convert_element_type3A_844 = arith.extui %eq3A_843 : vector<1024x8xi1> to vector<1024x8xi32>
      %broadcast_in_dim3A_845 = arith.constant 0 : i32
      %broadcast_in_dim3A_846 = vector.broadcast %broadcast_in_dim3A_845 : i32 to vector<1024x1xi32>
      %slice3A_847 = vector.extract_strided_slice %convert_element_type3A_844 {offsets = [0, 0], sizes = [1024, 7], strides = [1, 1]} : vector<1024x8xi32> to vector<1024x7xi32>
      %concatenate3A_848 = tpu.concatenate %broadcast_in_dim3A_846, %slice3A_847 in 1 : vector<1024x1xi32>, vector<1024x7xi32> -> vector<1024x8xi32>
      %or3A_849 = arith.ori %convert_element_type3A_844, %concatenate3A_848 : vector<1024x8xi32>
      %broadcast_in_dim3A_850 = arith.constant 0 : i32
      %broadcast_in_dim3A_851 = vector.broadcast %broadcast_in_dim3A_850 : i32 to vector<1024x2xi32>
      %slice3A_852 = vector.extract_strided_slice %or3A_849 {offsets = [0, 0], sizes = [1024, 6], strides = [1, 1]} : vector<1024x8xi32> to vector<1024x6xi32>
      %concatenate3A_853 = tpu.concatenate %broadcast_in_dim3A_851, %slice3A_852 in 1 : vector<1024x2xi32>, vector<1024x6xi32> -> vector<1024x8xi32>
      %or3A_854 = arith.ori %or3A_849, %concatenate3A_853 : vector<1024x8xi32>
      %broadcast_in_dim3A_855 = arith.constant 0 : i32
      %broadcast_in_dim3A_856 = vector.broadcast %broadcast_in_dim3A_855 : i32 to vector<1024x4xi32>
      %slice3A_857 = vector.extract_strided_slice %or3A_854 {offsets = [0, 0], sizes = [1024, 4], strides = [1, 1]} : vector<1024x8xi32> to vector<1024x4xi32>
      %concatenate3A_858 = tpu.concatenate %broadcast_in_dim3A_856, %slice3A_857 in 1 : vector<1024x4xi32>, vector<1024x4xi32> -> vector<1024x8xi32>
      %or3A_859 = arith.ori %or3A_854, %concatenate3A_858 : vector<1024x8xi32>
      %slice3A_860 = vector.extract_strided_slice %concatenate3A {offsets = [0, 1], sizes = [1024, 7], strides = [1, 1]} : vector<1024x8xi32> to vector<1024x7xi32>
      %broadcast_in_dim3A_861 = arith.constant 0 : i32
      %broadcast_in_dim3A_862 = vector.broadcast %broadcast_in_dim3A_861 : i32 to vector<1024x1xi32>
      %concatenate3A_863 = tpu.concatenate %slice3A_860, %broadcast_in_dim3A_862 in 1 : vector<1024x7xi32>, vector<1024x1xi32> -> vector<1024x8xi32>
      %eq3A_864 = arith.constant 1 : i32
      %eq3A_865 = vector.broadcast %eq3A_864 : i32 to vector<1024x8xi32>
      %eq3A_866 = arith.cmpi eq, %or3A_859, %eq3A_865 : vector<1024x8xi32>
      %select_n3A_867 = arith.select %eq3A_866, %concatenate3A_863, %concatenate3A : vector<1024x8xi1>, vector<1024x8xi32>
      %swap3A_868 = arith.constant 0 : index
      %swap3A_869 = arith.constant 0 : index
      %swap3A_870 = vector.load %arg4[%swap3A_868, %swap3A_869] : memref<1024x8xi32, #tpu.memory_space<vmem>>, vector<1024x8xi32>
      tpu.vector_store %arg4[%swap3A_868, %swap3A_869], %select_n3A_867 {strides = array<i32>} : memref<1024x8xi32, #tpu.memory_space<vmem>>, vector<1024x8xi32>,
    } else {
    }
    return
  }
  func.func @transform_0(%arg0: i32) -> (i32, i32) {
    %c0_i32 = arith.constant 0 : i32
    %c0_i32_0 = arith.constant 0 : i32
    %c0_i32_1 = arith.constant 0 : i32
    return %c0_i32, %c0_i32_0 : i32, i32
  }
  func.func @transform_1(%arg0: i32) -> (i32, i32) {
    %c0_i32 = arith.constant 0 : i32
    %c0_i32_0 = arith.constant 0 : i32
    %c0_i32_1 = arith.constant 0 : i32
    return %c0_i32, %c0_i32_0 : i32, i32
  }
  func.func @transform_2(%arg0: i32) -> (i32, i32) {
    %c0_i32 = arith.constant 0 : i32
    %c0_i32_0 = arith.constant 0 : i32
    return %arg0, %c0_i32 : i32, i32
  }
  func.func @transform_3(%arg0: i32) -> (i32, i32) {
    %c0_i32 = arith.constant 0 : i32
    %c0_i32_0 = arith.constant 0 : i32
    %c0_i32_1 = arith.constant 0 : i32
    return %c0_i32, %c0_i32_0 : i32, i32
  }
}

module attributes {stable_mosaic.version = 14 : i64} {
  func.func @_pad_body(%arg0: i32, %arg1: memref<4000x100xf32, #tpu.memory_space<vmem>>, %arg2: memref<4000x128xf32, #tpu.memory_space<vmem>>) attributes {dimension_semantics = [#tpu.dimension_semantics<arbitrary>], iteration_bounds = array<i64: 25>, scalar_prefetch = 0 : i64, scratch_operands = 0 : i64, tpu.core_type = #tpu.core_type<tc>, window_params = [{transform_indices = @transform_0, window_bounds = array<i64: 4000, 100>}, {transform_indices = @transform_1, window_bounds = array<i64: 4000, 128>}]} {
    %get3A = arith.constant 0 : index
    %get3A_0 = arith.constant 0 : index
    %get3A_1 = vector.load %arg1[%get3A, %get3A_0] : memref<4000x100xf32, #tpu.memory_space<vmem>>, vector<4000x100xf32>
    %swap3A = arith.constant 0 : index
    %swap3A_2 = arith.constant 0 : index
    %swap3A_3 = vector.load %arg2[%swap3A, %swap3A_2] : memref<4000x128xf32, #tpu.memory_space<vmem>>, vector<4000x100xf32>
    tpu.vector_store %arg2[%swap3A, %swap3A_2], %get3A_1 {strides = array<i32>} : memref<4000x128xf32, #tpu.memory_space<vmem>>, vector<4000x100xf32>,
    %broadcast_in_dim3A = arith.constant 0.000000e+00 : f32
    %broadcast_in_dim3A_4 = vector.broadcast %broadcast_in_dim3A : f32 to vector<4000x28xf32>
    %swap3A_5 = arith.constant 0 : index
    %swap3A_6 = arith.constant 100 : index
    %swap3A_7 = vector.load %arg2[%swap3A_5, %swap3A_6] : memref<4000x128xf32, #tpu.memory_space<vmem>>, vector<4000x28xf32>
    tpu.vector_store %arg2[%swap3A_5, %swap3A_6], %broadcast_in_dim3A_4 {strides = array<i32>} : memref<4000x128xf32, #tpu.memory_space<vmem>>, vector<4000x28xf32>,
    return
  }
  func.func @transform_0(%arg0: i32) -> (i32, i32) {
    %c0_i32 = arith.constant 0 : i32
    %c0_i32_0 = arith.constant 0 : i32
    return %arg0, %c0_i32 : i32, i32
  }
  func.func @transform_1(%arg0: i32) -> (i32, i32) {
    %c0_i32 = arith.constant 0 : i32
    %c0_i32_0 = arith.constant 0 : i32
    return %arg0, %c0_i32 : i32, i32
  }
}

module attributes {stable_mosaic.version = 14 : i64} {
  func.func @_mean_argmax_body(%arg0: memref<5120x128xf32, #tpu.memory_space<vmem>>, %arg1: memref<1024x100xf32, #tpu.memory_space<vmem>>, %arg2: memref<1024x1xi32, #tpu.memory_space<vmem>>) attributes {dimension_semantics = [], scalar_prefetch = 0 : i64, scratch_operands = 0 : i64, tpu.core_type = #tpu.core_type<tc>} {
    %get3A = arith.constant 0 : index
    %get3A_0 = arith.constant 0 : index
    %get3A_1 = vector.load %arg0[%get3A, %get3A_0] : memref<5120x128xf32, #tpu.memory_space<vmem>>, vector<1024x100xf32>
    %get3A_2 = arith.constant 1024 : index
    %get3A_3 = arith.constant 0 : index
    %get3A_4 = vector.load %arg0[%get3A_2, %get3A_3] : memref<5120x128xf32, #tpu.memory_space<vmem>>, vector<1024x100xf32>
    %add3A = arith.addf %get3A_1, %get3A_4 : vector<1024x100xf32>
    %get3A_5 = arith.constant 2048 : index
    %get3A_6 = arith.constant 0 : index
    %get3A_7 = vector.load %arg0[%get3A_5, %get3A_6] : memref<5120x128xf32, #tpu.memory_space<vmem>>, vector<1024x100xf32>
    %add3A_8 = arith.addf %add3A, %get3A_7 : vector<1024x100xf32>
    %get3A_9 = arith.constant 3072 : index
    %get3A_10 = arith.constant 0 : index
    %get3A_11 = vector.load %arg0[%get3A_9, %get3A_10] : memref<5120x128xf32, #tpu.memory_space<vmem>>, vector<1024x100xf32>
    %add3A_12 = arith.addf %add3A_8, %get3A_11 : vector<1024x100xf32>
    %get3A_13 = arith.constant 4096 : index
    %get3A_14 = arith.constant 0 : index
    %get3A_15 = vector.load %arg0[%get3A_13, %get3A_14] : memref<5120x128xf32, #tpu.memory_space<vmem>>, vector<1024x100xf32>
    %add3A_16 = arith.addf %add3A_12, %get3A_15 : vector<1024x100xf32>
    %mul3A = arith.constant 2.000000e-01 : f32
    %mul3A_17 = vector.broadcast %mul3A : f32 to vector<1024x100xf32>
    %mul3A_18 = arith.mulf %add3A_16, %mul3A_17 : vector<1024x100xf32>
    %swap3A = arith.constant 0 : index
    %swap3A_19 = arith.constant 0 : index
    %swap3A_20 = vector.load %arg1[%swap3A, %swap3A_19] : memref<1024x100xf32, #tpu.memory_space<vmem>>, vector<1024x100xf32>
    tpu.vector_store %arg1[%swap3A, %swap3A_19], %mul3A_18 {strides = array<i32>} : memref<1024x100xf32, #tpu.memory_space<vmem>>, vector<1024x100xf32>,
    %reduce_max3A = arith.constant dense<0xFF800000> : vector<1024xf32>
    %reduce_max3A_21 = vector.multi_reduction <maximumf>, %mul3A_18, %reduce_max3A [1] : vector<1024x100xf32> to vector<1024xf32>
    %broadcast_in_dim3A = vector.shape_cast %reduce_max3A_21 : vector<1024xf32> to vector<1024x1xf32>
    %iota3A = tpu.iota {dimensions = array<i32: 1>} : vector<1024x100xi32>
    %eq3A = vector.broadcast %broadcast_in_dim3A : vector<1024x1xf32> to vector<1024x100xf32>
    %eq3A_22 = arith.cmpf oeq, %mul3A_18, %eq3A : vector<1024x100xf32>
    %jit3A = arith.constant 2147483647 : i32
    %broadcast_in_dim3A_23 = vector.broadcast %jit3A : i32 to vector<1024x100xi32>
    %select_n3A = arith.select %eq3A_22, %iota3A, %broadcast_in_dim3A_23 : vector<1024x100xi1>, vector<1024x100xi32>
    %reduce_min3A = arith.constant dense<2147483647> : vector<1024xi32>
    %reduce_min3A_24 = vector.multi_reduction <minsi>, %select_n3A, %reduce_min3A [1] : vector<1024x100xi32> to vector<1024xi32>
    %broadcast_in_dim3A_25 = vector.shape_cast %reduce_min3A_24 : vector<1024xi32> to vector<1024x1xi32>
    %swap3A_26 = arith.constant 0 : index
    %swap3A_27 = arith.constant 0 : index
    %swap3A_28 = vector.load %arg2[%swap3A_26, %swap3A_27] : memref<1024x1xi32, #tpu.memory_space<vmem>>, vector<1024x1xi32>
    tpu.vector_store %arg2[%swap3A_26, %swap3A_27], %broadcast_in_dim3A_25 {strides = array<i32>} : memref<1024x1xi32, #tpu.memory_space<vmem>>, vector<1024x1xi32>,
    return
  }
}

</mosaic_0001>

<sc_bundles>
// kernel: kernel.6.cloned.1.call-start
scs
__scs_entry_jumppad:
0x0: {  	(pc) =	sbr.rel $0x88, $3  }
0x1: {  	(tag) =	ssettag $0x0;
	lr =	simm.s32 $0x1  }
0x2: {  	[smem:$0x3F9D] =	sst lr;
	_ =	strace $0xD0000000  }
0x3: {  	_ = 	snop  }
0x4: {  	_ = 	snop  }
0x5: {  	_ = 	snop  }
0x6: {  	_ = 	snop  }
0x7: {  	_ = 	snop  }
__scs_overlays_trampoline_lowered:
0x8: {  	[smem:$0x3FAC] =	sst s0  }
0x9: {  	[smem:$0x3FAD] =	sst s1  }
0xa: {  	[smem:$0x3FAE] =	sst s2  }
0xb: {  	[smem:$0x3FAF] =	sst s3  }
0xc: {  	[smem:$0x3FB0] =	sst s4  }
0xd: {  	[smem:$0x3FB1] =	sst s5  }
0xe: {  	[smem:$0x3FB2] =	sst s6  }
0xf: {  	[smem:$0x3FB3] =	sst s7  }
0x10: {  	[smem:$0x3FB4] =	sst s8  }
0x11: {  	[smem:$0x3FB5] =	sst s9;
	s0 =	simm.s32 @!p0 $0x0  }
0x12: {  	s1 =	sld [smem:$0x3F9B];
	s0 =	simm.s32 @p0 $0x1  }
0x13: {  	[smem:$0x3FB6] =	sst s0;
	s0 =	simm.s32 @!p1 $0x0  }
0x14: {  	s2 =	sld [smem:$0x3F9A];
	s0 =	simm.s32 @p1 $0x1  }
0x15: {  	[smem:$0x3FB7] =	sst s0;
	s0 =	simm.s32 @!p2 $0x0  }
0x16: {  	s3 =	sld [smem:$0x3FDB];
	s0 =	simm.s32 @p2 $0x1  }
0x17: {  	s4 =	simm.s32 $0x1BF5;
	[smem:$0x3FB9] =	sst s0  }
0x18: {  	s0 =	sld [smem:$0x3F9C];
	_ =	swait.ge [sflag:s4], $0x0  }
0x19: {  	s7 =	sld [smem:$0x3F9D]  }
0x1a: {  	s8 =	sadd.s32 $0xFFFFE003, lr  }
0x1b: {  	s9 =	sadd.s32 $0xFFFFFEF7, lr;
	s5 =	simm.s32 $0xFFFFFFFF;
	p2 =	slt.u32 s8, $0xFFFFF086  }
0x1c: {  	p1 =	slt.u32 s9, $0xF7A;
	s5 =	simm.s32 @!p2 $0x0  }
0x1d: {  	s5 =	simm.s32 @p1 $0x1;
	p0 =	seq.s32 s7, s2  }
0x1e: {  	s7 =	smul.u32 @!p0 $0xF7A, s2;
	p2 =	seq.s32 @!p0 s5, $0x0  }
0x1f: {  	s9 =	smul.u32 $0xF7A, s1;
	s8 =	simm.s32 @!p0 $0x1BF5;
	p2 =	por !p2, p0  }
0x20: {  	[sflag:s8] =	ssyncset.s32 @!p0 $0xFFFFF086;
	s6 =	sadd.s32 @!p0 s3, s7;
	s7 =	simm.s32 @!p0 $0x108  }
0x21: {  	s3 =	sadd.s32 s3, s9;
	s6 =	sadd.s32 @!p0 $0x88, s6;
	s7 =	simm.s32 @p2 $0x1082  }
0x22: {  	[simem:s7], [sflag:s8] =	dma.local @!p0 [hbm:s6], $0xF7A  }
0x23: {  	s9 =	sor.u32 $0xD0000000, s2;
	s6 =	simm.s32 $0x108;
	_ =	swait.ge @!p0 [sflag:s8], $0x0  }
0x24: {  	s3 =	sadd.s32 $0x88, s3;
	s6 =	simm.s32 @!p1 $0x1082;
	[sflag:s4] =	ssyncset.s32 $0xFFFFF086  }
0x25: {  	[simem:s6], [sflag:s4] =	dma.local [hbm:s3], $0xF7A  }
0x26: {  	[smem:$0x3F9D] =	sst s1;
	(tag) =	ssettag s2;
	_ =	strace s9  }
0x27: {  	s1 =	sld [smem:$0x3FAD]  }
0x28: {  	s2 =	sld [smem:$0x3FAE]  }
0x29: {  	s4 =	sld [smem:$0x3FB0]  }
0x2a: {  	p0 =	seq.s32 s5, $0x0;
	s5 =	sld [smem:$0x3FB1]  }
0x2b: {  	s6 =	sld [smem:$0x3FB2]  }
0x2c: {  	s7 =	sld [smem:$0x3FB3]  }
0x2d: {  	s3 =	simm.s32 $0x108;
	s8 =	sld [smem:$0x3FB4]  }
0x2e: {  	s3 =	simm.s32 @!p0 $0x1082;
	s9 =	sld [smem:$0x3FB5]  }
0x2f: {  	lr =	sadd.s32 s0, s3;
	s0 =	sld [smem:$0x3FAC]  }
0x30: {  	s3 =	sld [smem:$0x3FAF]  }
0x31: {  	[smem:$0x3FB8] =	sst s10  }
0x32: {  	s10 =	sld [smem:$0x3FB6];
	_ =	sdelay $0x3  }
0x33: {  	p0 =	seq.s32 s10, $0x1;
	s10 =	sld [smem:$0x3FB8];
	_ =	sdelay $0x3  }
0x34: {  	[smem:$0x3FB8] =	sst s10  }
0x35: {  	s10 =	sld [smem:$0x3FB7];
	_ =	sdelay $0x3  }
0x36: {  	p1 =	seq.s32 s10, $0x1;
	s10 =	sld [smem:$0x3FB8];
	_ =	sdelay $0x3  }
0x37: {  	[smem:$0x3FB8] =	sst s10  }
0x38: {  	s10 =	sld [smem:$0x3FB9]  }
0x39: {  	_ = 	snop;
	(pc) =	sbr.ind lr, $3  }
0x3a: {  	_ = 	snop  }
0x3b: {  	_ = 	snop  }
0x3c: {  	p2 =	seq.s32 s10, $0x1;
	s10 =	sld [smem:$0x3FB8]  }
0x3d: {  	_ =	shalt  }
0x3e: {  	_ =	shalt  }
0x3f: {  	_ =	shalt  }
0x40: {  	_ =	shalt  }
0x41: {  	_ =	shalt  }
0x42: {  	_ =	shalt  }
0x43: {  	_ =	shalt  }
0x44: {  	_ =	shalt  }
0x45: {  	_ =	shalt  }
0x46: {  	_ =	shalt  }
0x47: {  	_ =	shalt  }
0x48: {  	_ =	shalt  }
0x49: {  	_ =	shalt  }
0x4a: {  	_ =	shalt  }
0x4b: {  	_ =	shalt  }
0x4c: {  	_ =	shalt  }
0x4d: {  	_ =	shalt  }
0x4e: {  	_ =	shalt  }
0x4f: {  	_ =	shalt  }
0x50: {  	_ =	shalt  }
0x51: {  	_ =	shalt  }
0x52: {  	_ =	shalt  }
0x53: {  	_ =	shalt  }
0x54: {  	_ =	shalt  }
0x55: {  	_ =	shalt  }
0x56: {  	_ =	shalt  }
0x57: {  	_ =	shalt  }
0x58: {  	_ =	shalt  }
0x59: {  	_ =	shalt  }
0x5a: {  	_ =	shalt  }
0x5b: {  	_ =	shalt  }
0x5c: {  	_ =	shalt  }
0x5d: {  	_ =	shalt  }
0x5e: {  	_ =	shalt  }
0x5f: {  	_ =	shalt  }
0x60: {  	_ =	shalt  }
0x61: {  	_ =	shalt  }
0x62: {  	_ =	shalt  }
0x63: {  	_ =	shalt  }
0x64: {  	_ =	shalt  }
0x65: {  	_ =	shalt  }
0x66: {  	_ =	shalt  }
0x67: {  	_ =	shalt  }
0x68: {  	_ =	shalt  }
0x69: {  	_ =	shalt  }
0x6a: {  	_ =	shalt  }
0x6b: {  	_ =	shalt  }
0x6c: {  	_ =	shalt  }
0x6d: {  	_ =	shalt  }
0x6e: {  	_ =	shalt  }
0x6f: {  	_ =	shalt  }
0x70: {  	_ =	shalt  }
0x71: {  	_ =	shalt  }
0x72: {  	_ =	shalt  }
0x73: {  	_ =	shalt  }
0x74: {  	_ =	shalt  }
0x75: {  	_ =	shalt  }
0x76: {  	_ =	shalt  }
0x77: {  	_ =	shalt  }
0x78: {  	_ =	shalt  }
0x79: {  	_ =	shalt  }
0x7a: {  	_ =	shalt  }
0x7b: {  	_ =	shalt  }
0x7c: {  	_ =	shalt  }
0x7d: {  	_ =	shalt  }
0x7e: {  	_ =	shalt  }
0x7f: {  	_ =	shalt  }
0x80: {  	_ =	shalt  }
0x81: {  	_ =	shalt  }
0x82: {  	_ =	shalt  }
0x83: {  	_ =	shalt  }
0x84: {  	_ =	shalt  }
0x85: {  	_ =	shalt  }
0x86: {  	_ =	shalt  }
0x87: {  	_ =	shalt  }
.Lfunc_end0:
.L_simem_size_0:
called_computation_lowered:
.L_overlay_start_0:
0x88: {  	s2 =	sld [smem:$0x3FD9]  }
0x89: {  	s3 =	sld [smem:$0x3FFE];
	_ =	sdelay $0x1  }
0x8a: {  	s1 =	srdreg.scid  }
0x8b: {  	s0 =	sand.u32 $0x1, s1  }
0x8c: {  	s14 =	sshll.u32 s0, $0xA;
	s2 =	sadd.s32 s3, s2  }
0x8d: {  	s2 =	sadd.s32 s2, s14  }
0x8e: {  	[smem:$0x3FC4] =	sst s2  }
0x8f: {  	_ = 	snop  }
0x90: {  	s2 =	sld [smem:$0x3FD0];
	_ =	sdelay $0x2  }
0x91: {  	s15 =	simm.s32 $0xA;
	s4 =	simm.s32 $0x10  }
0x92: {  	[smem:s4], [sflag:s15] =	dma.local [hbm:s2], $0x1  }
0x93: {  	_ =	swait.eq [sflag:s15], $0x1  }
0x94: {  	[sflag:s15] =	ssyncset.done $0x0  }
0x95: {  	[sflag:s15] =	ssyncadd.s32 $0xFFFFFFFF  }
0x96: {  	s16 =	sld [smem:$0x11];
	(tm) =	ssettm $0x1  }
0x97: {  	s17 =	sld [smem:$0x3FFB];
	_ =	sdelay $0x3  }
0x98: {  	_ =	strace s17  }
0x99: {  	s3 =	sld [smem:$0x3FFC];
	_ =	sdelay $0x3  }
0x9a: {  	_ =	strace s3  }
0x9b: {  	s3 =	sld [smem:$0x3FFD];
	_ =	sdelay $0x3  }
0x9c: {  	_ =	strace s3  }
0x9d: {  	_ =	strace $0x8FFFFFFF  }
0x9e: {  	s18 =	sld [smem:$0x3FDB];
	_ =	sdelay $0x1  }
0x9f: {  	s19 =	simm.s32 $_scs_section_size  }
0xa0: {  	s5 =	simm.s32 $_size__tile_overlayer_lowered;
	s6 =	simm.s32 $_tile_overlayer_lowered  }
0xa1: {  	s22 =	simm.s32 $0x1BFF;
	s21 =	sshll.u32 s6, $0x1;
	s3 =	sadd.s32 s19, s18  }
0xa2: {  	s7 =	simm.s32 $0x0;
	s20 =	sshll.u32 s5, $0x1;
	s5 =	sadd.s32 s21, s3  }
0xa3: {  	[timem:s7], [sflag:s22] =	dma.local [hbm:s5], s20  }
0xa4: {  	_ =	swait.ge [sflag:s22], s20  }
0xa5: {  	s4 =	ssub.s32 $0x0, s20;
	[sflag:s22] =	ssyncset.done $0x0  }
0xa6: {  	[sflag:s22] =	ssyncadd.s32 s4;
	_ =	sdelay $0x1  }
0xa7: {  	s23 =	simm.s32 $0x1B8B  }
0xa8: {  	_ =	swait.ge [sflag:s23], $0x1  }
0xa9: {  	[sflag:s23] =	ssyncset.done $0x0  }
0xaa: {  	s25 =	simm.s32 $0x1B8E;
	s24 =	sld [smem:$0x3FFE];
	[sflag:s23] =	ssyncadd.s32 $0xFFFFFFFF  }
0xab: {  	s26 =	simm.s32 $execute0_lowered;
	[smem:$0x3FD2] =	sst s25  }
0xac: {  	s5 =	sshll.u32 s26, $0x1;
	_ =	strace $0x80000046;
	[dreg:$0x1] =	wrdreg $0xFFFFFFFF  }
0xad: {  	s28 =	simm.s32 $_size_execute0_lowered;
	s3 =	sadd.s32 s3, s5;
	[dreg:$0x0] =	wrdreg $0x0  }
0xae: {  	s5 =	sshll.u32 s28, $0x1;
	[dreg:$0x2] =	wrdreg s3  }
0xaf: {  	[dreg:$0x3] =	wrdreg s5  }
0xb0: {  	[dreg:$0x4] =	wrdreg $0xC0  }
0xb1: {  	_ =	task [dreg:s7], $0x5FFFF  }
0xb2: {  	[dreg:$0x1] =	wrdreg $0xFFFFFFFF  }
0xb3: {  	[dreg:$0x0] =	wrdreg $0x60  }
0xb4: {  	[dreg:$0x2] =	wrdreg s24  }
0xb5: {  	[dreg:$0x3] =	wrdreg s16  }
0xb6: {  	[dreg:$0x4] =	wrdreg $0x9  }
0xb7: {  	_ =	task.clear_ibuf [dreg:s7], $0x5FFFF;
	_ =	strace $0x90000046  }
0xb8: {  	s29 =	simm.s32 $0x9;
	_ =	strace $0x8000004F  }
0xb9: {  	_ =	swait.ge [sflag:s29], $0x1  }
0xba: {  	[sflag:s29] =	ssyncadd.s32 $0xFFFFFFFF  }
0xbb: {  	_ =	strace $0x9000004F  }
0xbc: {  	_ =	sfence  }
0xbd: {  	s30 =	sld [smem:$0x0];
	_ =	sdelay $0x2  }
0xbe: {  	s31 =	sshll.u32 s1, $0xD;
	s1 =	sshrl.u32 s1, $0x2  }
0xbf: {  	s3 =	sand.u32 $0x4000, s31;
	s1 =	sadd.s32 s1, s30  }
0xc0: {  	s0 =	sor.u32 s3, s0;
	s1 =	sshll.u32 s1, $0x11  }
0xc1: {  	s0 =	sor.u32 s1, s0  }
0xc2: {  	s0 =	sadd.s32 $0x8F2B, s0  }
0xc3: {  	[sflag:s0] =	ssyncadd.remote.s32 $0x1  }
0xc4: {  	_ =	sfence.sel $0xFFFF  }
0xc5: {  	[dreg:$0x0] =	wrdreg $0xFFFFFFFF;
	(pc) =	sbr.abs _section_cstart, $3  }
0xc6: {  	[dreg:$0x1] =	wrdreg $0xFFFFFFFF  }
0xc7: {  	_ =	task.clear_ibuf [dreg:s7], $0x2FFFF;
	_ =	strace $0x9FFFFFFF  }
0xc8: {  	(tm) =	ssettm $0x7FFFFFFF  }
0xc9: {  	_ =	shalt  }
tec
execute0_lowered:
.L_overlay_start_1:
0x0: {  	(tag) =	ssettag $0x1  }
0x1: {  	s5 =	rddreg [dreg:$0x0]  }
0x2: {  	s1 =	rddreg [dreg:$0x1]  }
0x3: {  	s0 =	rddreg [dreg:$0x2];
	s2 =	simm.s32 $0x0;
	s3 =	srdreg.scid  }
0x4: {  	s11 =	simm.s32 $0x80;
	s12 =	simm.s32 $0x5;
	s13 =	simm.s32 $0x0  }
0x5: {  	[smem:$0x7FF] =	sst s2;
	s6 =	sand.u32 $0x1, s3;
	s4 =	sadd.s32 $0x187200, s5  }
0x6: {  	s3 =	stileid.u32;
	s5 =	sadd.s32 $0x800, s5;
	s7 =	sshll.u32 s6, $0x4  }
0x7: {  	_ =	strace $0x80000047;
	s8 =	ssub.s32 $0x2, s6;
	s30 =	sor.u32 s3, s7  }
0x8: {  	p0 =	slt.u32 s30, $0x8;
	s9 =	sshll.u32 s30, $0x1;
	s6 =	sadd.s32 $0x8, s30  }
0x9: {  	s10 =	sshrl.u32 s8, $0x1;
	s7 =	simm.s32 $0x2;
	s6 =	smov.u32 @p0 s9  }
0xa: {  	s10 =	ssub.s32 s8, s10;
	s7 =	simm.s32 @!p0 $0x1;
	s31 =	sshll.u32 s6, $0x4  }
0xb: {  	s10 =	smax.u32 s10, $0x1;
	s9 =	sadd.s32 $0xFFFFFFFF, s7;
	s8 =	sadd.s32 s1, s31  }
.LBB2_1:
0xc: {  	_ =	strace $0x80000048;
	s20 =	simm.s32 $0x0  }
0xd: {  	s14 =	simm.s32 $0x0;
	s15 =	simm.s32 $0x0;
	s16 =	simm.s32 $0x0  }
0xe: {  	[tilespmem:s2], [sflag:$0x1] =	stream.linear.gather [hbm4b:s8+s2], $0x80, $0x200038;
	[tilespmem:$0x8100] =	vst v63  }
0xf: {  	s17 =	simm.s32 $0x1;
	s18 =	simm.s32 $0x0;
	_ =	strace $0x90000048  }
.LBB2_2:
0x10: {  	s19 =	sadd.s32 $0x1, s20  }
0x11: {  	p0 =	seq.s32 s19, s7  }
0x12: {  	s19 =	simm.s32 @p0 $0x0  }
0x13: {  	p3 =	slt.s32 s18, s9;
	p1 =	sne.s32 s20, s19  }
0x14: {  	p0 =	por !p3, !p1  }
0x15: {  	p0 =	por !p0, !p0  }
0x16: {  	s21 =	sadd.s32 @p0 s6, s19  }
0x17: {  	s22 =	sand.u32 @p0 $0x1, s17;
	s21 =	sshll.u32 @p0 s21, $0x4  }
0x18: {  	_ =	strace @p0 $0x80000049;
	s24 =	simm.s32 @p0 $0x0;
	s21 =	sand.u32 @p0 $0x1FFFFFF0, s21  }
0x19: {  	s23 =	sshll.u32 @p0 s22, $0x7;
	s22 =	sadd.s32 @p0 $0x1, s22;
	s21 =	sadd.s32 @p0 s1, s21  }
0x1a: {  	[tilespmem:s23], [sflag:s22] =	stream.linear.gather @p0 [hbm4b:s21+s24], $0x80, $0x200038;
	[tilespmem:$0x8100] =	vst v63  }
0x1b: {  	p2 =	seq.s32 s18, $0x0;
	s21 =	sor.u32 s9, s20  }
0x1c: {  	p3 =	seq.s32 @!p2 s21, $0x0  }
0x1d: {  	p2 =	por p2, !p3  }
0x1e: {  	_ =	strace @p0 $0x90000049;
	s22 =	sand.u32 @p2 $0x1, s16  }
0x1f: {  	_ =	strace @p2 $0x8000004A;
	s22 =	sadd.s32 @p2 $0x1, s22  }
0x20: {  	s31 =	sshll.u32 s16, $0x7;
	_ =	swait.ge @p2 [sflag:s22], $0x80  }
0x21: {  	p4 =	seq.s32 s9, s18;
	p6 =	sne.s32 s18, $0x0;
	[sflag:s22] =	ssyncset.done @p2 $0x0  }
0x22: {  	p1 =	por p4, p1;
	[sflag:s22] =	ssyncadd.s32 @p2 $0xFFFFFF80;
	s22 =	sand.u32 $0x1, s15  }
0x23: {  	s24 =	sand.u32 $0x80, s31;
	_ =	strace @p2 $0x9000004A;
	s30 =	sshll.u32 s22, $0xE  }
0x24: {  	s20 =	sadd.s32 s6, s20;
	_ =	strace $0x8000004B;
	s23 =	sor.u32 $0x100, s30  }
0x25: {  	[tilespmem:s23], [sflag:$0x5] =	stream.indirect.gather [hbm4b:s4+s11], $0x80, s24, s11, $0x2000b8;
	[tilespmem:$0x8100] =	vst v63  }
0x26: {  	p5 =	sne.s32 s21, $0x0;
	s20 =	sshll.u32 @p1 s20, $0xB;
	_ =	swait.ge [sflag:s12], $0x4000  }
0x27: {  	s21 =	simm.s32 $0x1;
	s20 =	sand.u32 @p1 $0x1FFFF800, s20;
	[sflag:s12] =	ssyncset.done $0x0  }
0x28: {  	s21 =	simm.s32 @!p0 $0x0;
	s20 =	sadd.s32 @p1 s5, s20;
	[sflag:s12] =	ssyncadd.s32 $0xFFFFC000  }
0x29: {  	p2 =	por !p6, !p5;
	s22 =	sadd.s32 @p1 $0x3, s22;
	_ =	strace $0x9000004B  }
0x2a: {  	p0 =	por !p2, !p2;
	s24 =	simm.s32 @p1 $0x0;
	_ =	strace @p1 $0x8000004C  }
0x2b: {  	[hbm4b:s20+s24] =	stream.linear.scatter @p1 [tilespmem:s23], [sflag:s22], $0x4000, $0x200038;
	[tilespmem:$0x8100] =	vst v63  }
0x2c: {  	s18 =	sadd.s32 $0x1, s18;
	s20 =	simm.s32 $0x1;
	s22 =	sand.u32 @p0 $0x1, s14  }
0x2d: {  	_ =	strace @p1 $0x9000004C;
	s20 =	simm.s32 @!p1 $0x0;
	p1 =	sne.s32 s7, s18  }
.Ltmp0:
0x2e: {  	s22 =	sadd.s32 @p0 $0x3, s22;
	_ =	strace @p0 $0x8000004D;
	(pc) =	sbr.rel @p1 .LBB2_2-.Ltmp0, $4  }
0x2f: {  	s17 =	sadd.s32 s21, s17;
	s21 =	simm.s32 $0x1;
	_ =	swait.ge @p0 [sflag:s22], $0x4000  }
0x30: {  	s21 =	simm.s32 @!p0 $0x0;
	[sflag:s22] =	ssyncset.done @p0 $0x0  }
0x31: {  	s14 =	sadd.s32 s21, s14;
	s15 =	sadd.s32 s20, s15;
	[sflag:s22] =	ssyncadd.s32 @p0 $0xFFFFC000  }
0x32: {  	s16 =	sadd.s32 s20, s16;
	s20 =	smov.u32 s19;
	_ =	strace @p0 $0x9000004D  }
0x33: {  	s13 =	sadd.s32 $0x1, s13  }
0x34: {  	s14 =	sand.u32 $0x1, s14;
	p0 =	sne.s32 s13, s10  }
.Ltmp1:
0x35: {  	_ =	strace $0x8000004E;
	s14 =	sadd.s32 $0x3, s14;
	(pc) =	sbr.rel @p0 .LBB2_1-.Ltmp1, $4  }
0x36: {  	_ =	swait.ge [sflag:s14], $0x4000  }
0x37: {  	[sflag:s14] =	ssyncset.done $0x0  }
0x38: {  	[sflag:s14] =	ssyncadd.s32 $0xFFFFC000  }
0x39: {  	_ =	strace $0x9000004E  }
0x3a: {  	_ =	sfence.sel $0x180000  }
0x3b: {  	[bflag:$0x0] =	sbarrier.arrive $0xFFFF  }
0x3c: {  	p0 =	sne.s32 s3, $0x0;
	_ =	strace $0x90000047  }
0x3d: {  	s0 =	sadd.s32 @!p0 $0x100000, s0;
	[bflag:$0x2] =	sbarrier.arrive $0xFFFF  }
0x3e: {  	[sflag:s0] =	ssyncadd.tile.s32 @!p0 $0x1;
	_ =	shalt  }
.Lfunc_end2:
_tile_overlayer_lowered:
.L_overlay_start_2:
0x3f: {  	(tag) =	ssettag $0x2  }
0x40: {  	s0 =	rddreg [dreg:$0x0];
	s2 =	stileid.u32  }
0x41: {  	s1 =	rddreg [dreg:$0x1];
	p0 =	sne.s32 s2, $0x0  }
0x42: {  	s3 =	rddreg [dreg:$0x2];
	[bflag:$0x3] =	sbarrier.arrive $0xFFFF;
	s2 =	simm.s32 @!p0 $0x1C01  }
0x43: {  	[timem:s3], [sflag:s2] =	dma.local @!p0 [hbm:s0], s1  }
0x44: {  	s0 =	simm.s32 @!p0 $0x1  }
0x45: {  	_ =	swait.ge @!p0 [sflag:s0], s1  }
0x46: {  	s1 =	ssub.s32 @!p0 $0x0, s1;
	[sflag:s0] =	ssyncset.done @!p0 $0x0  }
0x47: {  	[sflag:s0] =	ssyncadd.s32 @!p0 s1  }
0x48: {  	[bflag:$0x3] =	sbarrier.arrive $0xFFFF  }
0x49: {  	_ =	shalt  }

</sc_bundles>
